<compile_context>
chip_gen: v7x
topology: tpu7x:2x2x1
jax: 0.10.2.dev20260603
libtpu: 0.0.44.dev20260713+nightly
codegen_flags: <defaults>
</compile_context>

<pallas_src>
import functools

import jax
import jax.numpy as jnp
from jax import lax
from jax.experimental import pallas as pl
from jax.experimental.pallas import tpu as pltpu
from jax.experimental.pallas import tpu_sc as plsc

NW = 32


def _sc_kernel_body(x_hbm, o_hbm, xv, av, accr, sr, *, k, nrows, d):
    nv = d // 16
    wid = lax.axis_index("s") * 2 + lax.axis_index("c")
    rows_pw = nrows // NW

    def row_body(ri, _):
        row = wid * rows_pw + ri
        pltpu.sync_copy(x_hbm.at[row], xv)

        def silu_body(vi, _):
            v = xv[pl.ds(vi * 16, 16)]
            s = v / (1.0 + jnp.exp(-v))
            av[pl.ds(vi * 16, 16)] = s
            return 0

        lax.fori_loop(0, nv, silu_body, 0, unroll=False)

        zero = jnp.zeros((16,), jnp.int32)
        tv = zero
        for bit in range(30, 8, -1):
            candv = tv | jnp.int32(1 << bit)
            accr[pl.ds(0, 16)] = zero

            def cnt_body(vi, _, candv=candv):
                bits = jax.lax.bitcast_convert_type(
                    av[pl.ds(vi * 16, 16)], jnp.int32
                ) & jnp.int32(0x7FFFFFFF)
                one = jnp.full((16,), 1, jnp.int32)
                accr[pl.ds(0, 16)] = accr[pl.ds(0, 16)] + jnp.where(
                    bits >= candv, one, zero
                )
                return 0

            lax.fori_loop(0, nv, cnt_body, 0, unroll=False)
            cntv = accr[pl.ds(0, 16)]
            iota = lax.iota(jnp.int32, 16)
            dnums = lax.GatherDimensionNumbers(
                offset_dims=(),
                collapsed_slice_dims=(0,),
                start_index_map=(0,),
            )
            for sh in (1, 2, 4, 8):
                perm = (iota ^ sh)[:, None]
                cntv = cntv + lax.gather(
                    cntv,
                    perm,
                    dnums,
                    (1,),
                    mode=lax.GatherScatterMode.PROMISE_IN_BOUNDS,
                )
            tv = jnp.where(cntv >= k, candv, tv)

        def mask_body(vi, _):
            sl = pl.ds(vi * 16, 16)
            s = av[sl]
            bits = jax.lax.bitcast_convert_type(s, jnp.int32) & jnp.int32(
                0x7FFFFFFF
            )
            xv[sl] = jnp.where(bits >= tv, s, 0.0)
            return 0

        lax.fori_loop(0, nv, mask_body, 0, unroll=False)
        pltpu.sync_copy(xv, o_hbm.at[row])
        return 0

    lax.fori_loop(0, rows_pw, row_body, 0, unroll=False)


def kernel(x):
    b, s, d = x.shape
    k = max(1, int(d * 0.5))
    rows = b * s
    xr = x.reshape(rows, d)
    mesh = plsc.VectorSubcoreMesh(core_axis_name="c", subcore_axis_name="s")
    sc_call = functools.partial(
        pl.kernel,
        mesh=mesh,
        out_type=jax.ShapeDtypeStruct((rows, d), jnp.float32),
        scratch_types=[
            pltpu.VMEM((d,), jnp.float32),
            pltpu.VMEM((d,), jnp.float32),
            pltpu.VMEM((16,), jnp.int32),
            pltpu.SMEM((1,), jnp.int32),
        ],
    )(functools.partial(_sc_kernel_body, k=k, nrows=rows, d=d))
    out = sc_call(xr)
    return out.reshape(b, s, d)

# --- scband reference (transcript-rebuilt; emitter-appended) ---
"""Pipeline reference for scband-top-kactivation-29695403884789 (READ-ONLY COPY).

The authoritative reference and input builder live on the scoring server;
editing this copy changes nothing except your own understanding.
"""

import jax, jax.numpy as jnp
import numpy as np

K_RATIO = 0.5

def setup_inputs(seed: int = 0) -> dict:
    key = jax.random.key(seed)
    x = jax.random.normal(key, (2, 4096, 4096), dtype=jnp.float32)
    return {"x": x}

def reference(x) -> jnp.ndarray:
    # SiLU base activation
    activated = x * jax.nn.sigmoid(x)
    d = x.shape[-1]
    k = max(1, int(d * K_RATIO))
    # top-k of |activated| along last dim
    _, indices = jax.lax.top_k(jnp.abs(activated), k)
    # gather the activated values at those indices
    vals = jnp.take_along_axis(activated, indices, axis=-1)
    # scatter back into a zero tensor along the last dim
    B, S, _ = x.shape
    b_idx = jnp.arange(B)[:, None, None]
    s_idx = jnp.arange(S)[None, :, None]
    sparse_out = jnp.zeros_like(x).at[b_idx, s_idx, indices].set(vals)
    return sparse_out

if __name__ == "__main__":
    import jax
    _d = setup_inputs()
    print(jax.jit(kernel)(*tuple(_d.values())))

</pallas_src>

<mosaic_0001>
#map = affine_map<(d0, d1) -> (0, 0)>
module attributes {stable_mosaic.version = 14 : i64} {
  func.func @_sc_kernel_body(%arg0: i32, %arg1: i32, %arg2: memref<8192x4096xf32, #tpu.memory_space<hbm>>, %arg3: memref<8192x4096xf32, #tpu.memory_space<hbm>>, %arg4: memref<4096xf32, #tpu.memory_space<vmem>>, %arg5: memref<4096xf32, #tpu.memory_space<vmem>>, %arg6: memref<16xi32, #tpu.memory_space<vmem>>, %arg7: memref<1xi32, #tpu.memory_space<smem>>) attributes {dimension_semantics = [#tpu.dimension_semantics<core_parallel>, #tpu.dimension_semantics<subcore_parallel>], iteration_bounds = array<i64: 2, 16>, scalar_prefetch = 0 : i64, scratch_operands = 4 : i64, tpu.core_type = #tpu.core_type<sc_vector_subcore>, window_params = [{transform_indices = #map}, {transform_indices = #map}]} {
    %mul3A = arith.constant 2 : i32
    %mul3A_0 = arith.muli %arg1, %mul3A : i32
    %add3A = arith.addi %mul3A_0, %arg0 : i32
    %scan3A = arith.constant 0 : i32
    %scan3A_1 = arith.constant 0 : i32
    %scan3A_2 = arith.constant 256 : i32
    %scan3A_3 = arith.addi %scan3A_1, %scan3A_2 : i32
    %scan3A_4 = arith.constant 1 : i32
    %scan3A_5 = scf.for %scan3A_7 = %scan3A_1 to %scan3A_3 step %scan3A_4 iter_args(%scan3A_8 = %scan3A) -> (i32)  : i32 {
      %mul3A_9 = arith.constant 256 : i32
      %mul3A_10 = arith.muli %add3A, %mul3A_9 : i32
      %add3A_11 = arith.addi %mul3A_10, %scan3A_7 : i32
      "tpu.region"() ({
        %run_scoped3A = tpu.sem_alloc : memref<!tpu.dma_semaphore, #tpu.memory_space<semaphore_mem>>
        %dma_start3A = arith.constant 0 : i32
        %dma_start3A_1120 = tpu.memref_slice %arg2[%add3A_11, %dma_start3A] : memref<8192x4096xf32, #tpu.memory_space<hbm>> -> memref<1x4096xf32, #tpu.memory_space<hbm>>
        %dma_start3A_1121 = tpu.memref_squeeze %dma_start3A_1120 : memref<1x4096xf32, #tpu.memory_space<hbm>> -> memref<4096xf32, #tpu.memory_space<hbm>>
        %dma_start3A_1122 = arith.constant 0 : i32
        %dma_start3A_1123 = tpu.memref_slice %arg2[%add3A_11, %dma_start3A_1122] : memref<8192x4096xf32, #tpu.memory_space<hbm>> -> memref<1x4096xf32, #tpu.memory_space<hbm>>
        %dma_start3A_1124 = tpu.memref_squeeze %dma_start3A_1123 : memref<1x4096xf32, #tpu.memory_space<hbm>> -> memref<4096xf32, #tpu.memory_space<hbm>>
        tpu.enqueue_dma source(%dma_start3A_1124 : memref<4096xf32, #tpu.memory_space<hbm>>) target(%arg4 : memref<4096xf32, #tpu.memory_space<vmem>>) target_semaphore(%run_scoped3A : memref<!tpu.dma_semaphore, #tpu.memory_space<semaphore_mem>>)
        %dma_wait3A = arith.constant 0 : i32
        %dma_wait3A_1125 = tpu.memref_slice %arg2[%add3A_11, %dma_wait3A] : memref<8192x4096xf32, #tpu.memory_space<hbm>> -> memref<1x4096xf32, #tpu.memory_space<hbm>>
        %dma_wait3A_1126 = tpu.memref_squeeze %dma_wait3A_1125 : memref<1x4096xf32, #tpu.memory_space<hbm>> -> memref<4096xf32, #tpu.memory_space<hbm>>
        %dma_wait3A_1127 = arith.constant 0 : i32
        %dma_wait3A_1128 = tpu.memref_slice %arg2[%add3A_11, %dma_wait3A_1127] : memref<8192x4096xf32, #tpu.memory_space<hbm>> -> memref<1x4096xf32, #tpu.memory_space<hbm>>
        %dma_wait3A_1129 = tpu.memref_squeeze %dma_wait3A_1128 : memref<1x4096xf32, #tpu.memory_space<hbm>> -> memref<4096xf32, #tpu.memory_space<hbm>>
        tpu.wait_dma2 semaphore(%run_scoped3A : memref<!tpu.dma_semaphore, #tpu.memory_space<semaphore_mem>>) src(%dma_wait3A_1129 : memref<4096xf32, #tpu.memory_space<hbm>>) dst(%arg4 : memref<4096xf32, #tpu.memory_space<vmem>>)
        tpu.yield
      }) : () -> ()
      %scan3A_12 = arith.constant 0 : i32
      %scan3A_13 = arith.constant 0 : i32
      %scan3A_14 = arith.constant 256 : i32
      %scan3A_15 = arith.addi %scan3A_13, %scan3A_14 : i32
      %scan3A_16 = arith.constant 1 : i32
      %scan3A_17 = scf.for %scan3A_1120 = %scan3A_13 to %scan3A_15 step %scan3A_16 iter_args(%scan3A_1121 = %scan3A_12) -> (i32)  : i32 {
        %mul3A_1122 = arith.constant 16 : i32
        %mul3A_1123 = arith.muli %scan3A_1120, %mul3A_1122 : i32
        %get3A_1124 = arith.index_cast %mul3A_1123 : i32 to index
        %get3A_1125 = tpu.vector_load %arg4[%get3A_1124] {strides = array<i32>} : memref<4096xf32, #tpu.memory_space<vmem>>, vector<16xf32>,
        %get3A_1126 = vector.shape_cast %get3A_1125 : vector<16xf32> to vector<16xf32>
        %neg3A = arith.constant 0.000000e+00 : f32
        %neg3A_1127 = vector.broadcast %neg3A : f32 to vector<16xf32>
        %neg3A_1128 = arith.subf %neg3A_1127, %get3A_1126 : vector<16xf32>
        %exp3A = math.exp %neg3A_1128 : vector<16xf32>
        %add3A_1129 = arith.constant 1.000000e+00 : f32
        %add3A_1130 = vector.broadcast %add3A_1129 : f32 to vector<16xf32>
        %add3A_1131 = arith.addf %add3A_1130, %exp3A : vector<16xf32>
        %div3A = arith.divf %get3A_1126, %add3A_1131 : vector<16xf32>
        %mul3A_1132 = arith.constant 16 : i32
        %mul3A_1133 = arith.muli %scan3A_1120, %mul3A_1132 : i32
        %swap3A_1134 = arith.index_cast %mul3A_1133 : i32 to index
        %swap3A_1135 = tpu.vector_load %arg5[%swap3A_1134] {strides = array<i32>} : memref<4096xf32, #tpu.memory_space<vmem>>, vector<16xf32>,
        %swap3A_1136 = vector.shape_cast %swap3A_1135 : vector<16xf32> to vector<16xf32>
        %swap3A_1137 = vector.shape_cast %div3A : vector<16xf32> to vector<16xf32>
        tpu.vector_store %arg5[%swap3A_1134], %swap3A_1137 {strides = array<i32>} : memref<4096xf32, #tpu.memory_space<vmem>>, vector<16xf32>,
        %scan3A_1138 = arith.constant 0 : i32
        scf.yield %scan3A_1138 : i32
      }
      %scan3A_18 = arith.constant 256 : i32
      %broadcast_in_dim3A = arith.constant 0 : i32
      %broadcast_in_dim3A_19 = vector.broadcast %broadcast_in_dim3A : i32 to vector<16xi32>
      %or3A = arith.constant 1073741824 : i32
      %or3A_20 = vector.broadcast %or3A : i32 to vector<16xi32>
      %or3A_21 = arith.ori %broadcast_in_dim3A_19, %or3A_20 : vector<16xi32>
      %swap3A = arith.constant 0 : index
      %swap3A_22 = tpu.vector_load %arg6[%swap3A] {strides = array<i32>} : memref<16xi32, #tpu.memory_space<vmem>>, vector<16xi32>,
      %swap3A_23 = vector.shape_cast %swap3A_22 : vector<16xi32> to vector<16xi32>
      %swap3A_24 = vector.shape_cast %broadcast_in_dim3A_19 : vector<16xi32> to vector<16xi32>
      tpu.vector_store %arg6[%swap3A], %swap3A_24 {strides = array<i32>} : memref<16xi32, #tpu.memory_space<vmem>>, vector<16xi32>,
      %scan3A_25 = arith.constant 0 : i32
      %scan3A_26 = arith.constant 0 : i32
      %scan3A_27 = arith.constant 256 : i32
      %scan3A_28 = arith.addi %scan3A_26, %scan3A_27 : i32
      %scan3A_29 = arith.constant 1 : i32
      %scan3A_30 = scf.for %scan3A_1120 = %scan3A_26 to %scan3A_28 step %scan3A_29 iter_args(%scan3A_1121 = %scan3A_25) -> (i32)  : i32 {
        %mul3A_1122 = arith.constant 16 : i32
        %mul3A_1123 = arith.muli %scan3A_1120, %mul3A_1122 : i32
        %get3A_1124 = arith.index_cast %mul3A_1123 : i32 to index
        %get3A_1125 = tpu.vector_load %arg5[%get3A_1124] {strides = array<i32>} : memref<4096xf32, #tpu.memory_space<vmem>>, vector<16xf32>,
        %get3A_1126 = vector.shape_cast %get3A_1125 : vector<16xf32> to vector<16xf32>
        %bitcast_convert_type3A = tpu.bitcast %get3A_1126 : vector<16xf32> -> vector<16xi32>
        %and3A = arith.constant 2147483647 : i32
        %and3A_1127 = vector.broadcast %and3A : i32 to vector<16xi32>
        %and3A_1128 = arith.andi %bitcast_convert_type3A, %and3A_1127 : vector<16xi32>
        %broadcast_in_dim3A_1129 = arith.constant 1 : i32
        %broadcast_in_dim3A_1130 = vector.broadcast %broadcast_in_dim3A_1129 : i32 to vector<16xi32>
        %get3A_1131 = arith.constant 0 : index
        %get3A_1132 = tpu.vector_load %arg6[%get3A_1131] {strides = array<i32>} : memref<16xi32, #tpu.memory_space<vmem>>, vector<16xi32>,
        %get3A_1133 = vector.shape_cast %get3A_1132 : vector<16xi32> to vector<16xi32>
        %ge3A_1134 = arith.cmpi sge, %and3A_1128, %or3A_21 : vector<16xi32>
        %select_n3A_1135 = arith.select %ge3A_1134, %broadcast_in_dim3A_1130, %broadcast_in_dim3A_19 : vector<16xi1>, vector<16xi32>
        %add3A_1136 = arith.addi %get3A_1133, %select_n3A_1135 : vector<16xi32>
        %swap3A_1137 = arith.constant 0 : index
        %swap3A_1138 = tpu.vector_load %arg6[%swap3A_1137] {strides = array<i32>} : memref<16xi32, #tpu.memory_space<vmem>>, vector<16xi32>,
        %swap3A_1139 = vector.shape_cast %swap3A_1138 : vector<16xi32> to vector<16xi32>
        %swap3A_1140 = vector.shape_cast %add3A_1136 : vector<16xi32> to vector<16xi32>
        tpu.vector_store %arg6[%swap3A_1137], %swap3A_1140 {strides = array<i32>} : memref<16xi32, #tpu.memory_space<vmem>>, vector<16xi32>,
        %scan3A_1141 = arith.constant 0 : i32
        scf.yield %scan3A_1141 : i32
      }
      %scan3A_31 = arith.constant 256 : i32
      %get3A = arith.constant 0 : index
      %get3A_32 = tpu.vector_load %arg6[%get3A] {strides = array<i32>} : memref<16xi32, #tpu.memory_space<vmem>>, vector<16xi32>,
      %get3A_33 = vector.shape_cast %get3A_32 : vector<16xi32> to vector<16xi32>
      %iota3A = tpu.iota {dimensions = array<i32: 0>} : vector<16xi32>
      %xor3A = arith.constant 1 : i32
      %xor3A_34 = vector.broadcast %xor3A : i32 to vector<16xi32>
      %xor3A_35 = arith.xori %iota3A, %xor3A_34 : vector<16xi32>
      %broadcast_in_dim3A_36 = vector.shape_cast %xor3A_35 : vector<16xi32> to vector<16x1xi32>
      %gather3A = vector.shape_cast %broadcast_in_dim3A_36 : vector<16x1xi32> to vector<16xi32>
      %gather3A_37 = tpu.dynamic_gather %get3A_33[%gather3A] in [0] : vector<16xi32>, vector<16xi32> -> vector<16xi32>
      %add3A_38 = arith.addi %get3A_33, %gather3A_37 : vector<16xi32>
      %xor3A_39 = arith.constant 2 : i32
      %xor3A_40 = vector.broadcast %xor3A_39 : i32 to vector<16xi32>
      %xor3A_41 = arith.xori %iota3A, %xor3A_40 : vector<16xi32>
      %broadcast_in_dim3A_42 = vector.shape_cast %xor3A_41 : vector<16xi32> to vector<16x1xi32>
      %gather3A_43 = vector.shape_cast %broadcast_in_dim3A_42 : vector<16x1xi32> to vector<16xi32>
      %gather3A_44 = tpu.dynamic_gather %add3A_38[%gather3A_43] in [0] : vector<16xi32>, vector<16xi32> -> vector<16xi32>
      %add3A_45 = arith.addi %add3A_38, %gather3A_44 : vector<16xi32>
      %xor3A_46 = arith.constant 4 : i32
      %xor3A_47 = vector.broadcast %xor3A_46 : i32 to vector<16xi32>
      %xor3A_48 = arith.xori %iota3A, %xor3A_47 : vector<16xi32>
      %broadcast_in_dim3A_49 = vector.shape_cast %xor3A_48 : vector<16xi32> to vector<16x1xi32>
      %gather3A_50 = vector.shape_cast %broadcast_in_dim3A_49 : vector<16x1xi32> to vector<16xi32>
      %gather3A_51 = tpu.dynamic_gather %add3A_45[%gather3A_50] in [0] : vector<16xi32>, vector<16xi32> -> vector<16xi32>
      %add3A_52 = arith.addi %add3A_45, %gather3A_51 : vector<16xi32>
      %xor3A_53 = arith.constant 8 : i32
      %xor3A_54 = vector.broadcast %xor3A_53 : i32 to vector<16xi32>
      %xor3A_55 = arith.xori %iota3A, %xor3A_54 : vector<16xi32>
      %broadcast_in_dim3A_56 = vector.shape_cast %xor3A_55 : vector<16xi32> to vector<16x1xi32>
      %gather3A_57 = vector.shape_cast %broadcast_in_dim3A_56 : vector<16x1xi32> to vector<16xi32>
      %gather3A_58 = tpu.dynamic_gather %add3A_52[%gather3A_57] in [0] : vector<16xi32>, vector<16xi32> -> vector<16xi32>
      %add3A_59 = arith.addi %add3A_52, %gather3A_58 : vector<16xi32>
      %ge3A = arith.constant 2048 : i32
      %ge3A_60 = vector.broadcast %ge3A : i32 to vector<16xi32>
      %ge3A_61 = arith.cmpi sge, %add3A_59, %ge3A_60 : vector<16xi32>
      %select_n3A = arith.select %ge3A_61, %or3A_21, %broadcast_in_dim3A_19 : vector<16xi1>, vector<16xi32>
      %or3A_62 = arith.constant 536870912 : i32
      %or3A_63 = vector.broadcast %or3A_62 : i32 to vector<16xi32>
      %or3A_64 = arith.ori %select_n3A, %or3A_63 : vector<16xi32>
      %swap3A_65 = arith.constant 0 : index
      %swap3A_66 = tpu.vector_load %arg6[%swap3A_65] {strides = array<i32>} : memref<16xi32, #tpu.memory_space<vmem>>, vector<16xi32>,
      %swap3A_67 = vector.shape_cast %swap3A_66 : vector<16xi32> to vector<16xi32>
      %swap3A_68 = vector.shape_cast %broadcast_in_dim3A_19 : vector<16xi32> to vector<16xi32>
      tpu.vector_store %arg6[%swap3A_65], %swap3A_68 {strides = array<i32>} : memref<16xi32, #tpu.memory_space<vmem>>, vector<16xi32>,
      %scan3A_69 = arith.constant 0 : i32
      %scan3A_70 = arith.constant 0 : i32
      %scan3A_71 = arith.constant 256 : i32
      %scan3A_72 = arith.addi %scan3A_70, %scan3A_71 : i32
      %scan3A_73 = arith.constant 1 : i32
      %scan3A_74 = scf.for %scan3A_1120 = %scan3A_70 to %scan3A_72 step %scan3A_73 iter_args(%scan3A_1121 = %scan3A_69) -> (i32)  : i32 {
        %mul3A_1122 = arith.constant 16 : i32
        %mul3A_1123 = arith.muli %scan3A_1120, %mul3A_1122 : i32
        %get3A_1124 = arith.index_cast %mul3A_1123 : i32 to index
        %get3A_1125 = tpu.vector_load %arg5[%get3A_1124] {strides = array<i32>} : memref<4096xf32, #tpu.memory_space<vmem>>, vector<16xf32>,
        %get3A_1126 = vector.shape_cast %get3A_1125 : vector<16xf32> to vector<16xf32>
        %bitcast_convert_type3A = tpu.bitcast %get3A_1126 : vector<16xf32> -> vector<16xi32>
        %and3A = arith.constant 2147483647 : i32
        %and3A_1127 = vector.broadcast %and3A : i32 to vector<16xi32>
        %and3A_1128 = arith.andi %bitcast_convert_type3A, %and3A_1127 : vector<16xi32>
        %broadcast_in_dim3A_1129 = arith.constant 1 : i32
        %broadcast_in_dim3A_1130 = vector.broadcast %broadcast_in_dim3A_1129 : i32 to vector<16xi32>
        %get3A_1131 = arith.constant 0 : index
        %get3A_1132 = tpu.vector_load %arg6[%get3A_1131] {strides = array<i32>} : memref<16xi32, #tpu.memory_space<vmem>>, vector<16xi32>,
        %get3A_1133 = vector.shape_cast %get3A_1132 : vector<16xi32> to vector<16xi32>
        %ge3A_1134 = arith.cmpi sge, %and3A_1128, %or3A_64 : vector<16xi32>
        %select_n3A_1135 = arith.select %ge3A_1134, %broadcast_in_dim3A_1130, %broadcast_in_dim3A_19 : vector<16xi1>, vector<16xi32>
        %add3A_1136 = arith.addi %get3A_1133, %select_n3A_1135 : vector<16xi32>
        %swap3A_1137 = arith.constant 0 : index
        %swap3A_1138 = tpu.vector_load %arg6[%swap3A_1137] {strides = array<i32>} : memref<16xi32, #tpu.memory_space<vmem>>, vector<16xi32>,
        %swap3A_1139 = vector.shape_cast %swap3A_1138 : vector<16xi32> to vector<16xi32>
        %swap3A_1140 = vector.shape_cast %add3A_1136 : vector<16xi32> to vector<16xi32>
        tpu.vector_store %arg6[%swap3A_1137], %swap3A_1140 {strides = array<i32>} : memref<16xi32, #tpu.memory_space<vmem>>, vector<16xi32>,
        %scan3A_1141 = arith.constant 0 : i32
        scf.yield %scan3A_1141 : i32
      }
      %scan3A_75 = arith.constant 256 : i32
      %get3A_76 = arith.constant 0 : index
      %get3A_77 = tpu.vector_load %arg6[%get3A_76] {strides = array<i32>} : memref<16xi32, #tpu.memory_space<vmem>>, vector<16xi32>,
      %get3A_78 = vector.shape_cast %get3A_77 : vector<16xi32> to vector<16xi32>
      %iota3A_79 = tpu.iota {dimensions = array<i32: 0>} : vector<16xi32>
      %xor3A_80 = arith.constant 1 : i32
      %xor3A_81 = vector.broadcast %xor3A_80 : i32 to vector<16xi32>
      %xor3A_82 = arith.xori %iota3A_79, %xor3A_81 : vector<16xi32>
      %broadcast_in_dim3A_83 = vector.shape_cast %xor3A_82 : vector<16xi32> to vector<16x1xi32>
      %gather3A_84 = vector.shape_cast %broadcast_in_dim3A_83 : vector<16x1xi32> to vector<16xi32>
      %gather3A_85 = tpu.dynamic_gather %get3A_78[%gather3A_84] in [0] : vector<16xi32>, vector<16xi32> -> vector<16xi32>
      %add3A_86 = arith.addi %get3A_78, %gather3A_85 : vector<16xi32>
      %xor3A_87 = arith.constant 2 : i32
      %xor3A_88 = vector.broadcast %xor3A_87 : i32 to vector<16xi32>
      %xor3A_89 = arith.xori %iota3A_79, %xor3A_88 : vector<16xi32>
      %broadcast_in_dim3A_90 = vector.shape_cast %xor3A_89 : vector<16xi32> to vector<16x1xi32>
      %gather3A_91 = vector.shape_cast %broadcast_in_dim3A_90 : vector<16x1xi32> to vector<16xi32>
      %gather3A_92 = tpu.dynamic_gather %add3A_86[%gather3A_91] in [0] : vector<16xi32>, vector<16xi32> -> vector<16xi32>
      %add3A_93 = arith.addi %add3A_86, %gather3A_92 : vector<16xi32>
      %xor3A_94 = arith.constant 4 : i32
      %xor3A_95 = vector.broadcast %xor3A_94 : i32 to vector<16xi32>
      %xor3A_96 = arith.xori %iota3A_79, %xor3A_95 : vector<16xi32>
      %broadcast_in_dim3A_97 = vector.shape_cast %xor3A_96 : vector<16xi32> to vector<16x1xi32>
      %gather3A_98 = vector.shape_cast %broadcast_in_dim3A_97 : vector<16x1xi32> to vector<16xi32>
      %gather3A_99 = tpu.dynamic_gather %add3A_93[%gather3A_98] in [0] : vector<16xi32>, vector<16xi32> -> vector<16xi32>
      %add3A_100 = arith.addi %add3A_93, %gather3A_99 : vector<16xi32>
      %xor3A_101 = arith.constant 8 : i32
      %xor3A_102 = vector.broadcast %xor3A_101 : i32 to vector<16xi32>
      %xor3A_103 = arith.xori %iota3A_79, %xor3A_102 : vector<16xi32>
      %broadcast_in_dim3A_104 = vector.shape_cast %xor3A_103 : vector<16xi32> to vector<16x1xi32>
      %gather3A_105 = vector.shape_cast %broadcast_in_dim3A_104 : vector<16x1xi32> to vector<16xi32>
      %gather3A_106 = tpu.dynamic_gather %add3A_100[%gather3A_105] in [0] : vector<16xi32>, vector<16xi32> -> vector<16xi32>
      %add3A_107 = arith.addi %add3A_100, %gather3A_106 : vector<16xi32>
      %ge3A_108 = arith.constant 2048 : i32
      %ge3A_109 = vector.broadcast %ge3A_108 : i32 to vector<16xi32>
      %ge3A_110 = arith.cmpi sge, %add3A_107, %ge3A_109 : vector<16xi32>
      %select_n3A_111 = arith.select %ge3A_110, %or3A_64, %select_n3A : vector<16xi1>, vector<16xi32>
      %or3A_112 = arith.constant 268435456 : i32
      %or3A_113 = vector.broadcast %or3A_112 : i32 to vector<16xi32>
      %or3A_114 = arith.ori %select_n3A_111, %or3A_113 : vector<16xi32>
      %swap3A_115 = arith.constant 0 : index
      %swap3A_116 = tpu.vector_load %arg6[%swap3A_115] {strides = array<i32>} : memref<16xi32, #tpu.memory_space<vmem>>, vector<16xi32>,
      %swap3A_117 = vector.shape_cast %swap3A_116 : vector<16xi32> to vector<16xi32>
      %swap3A_118 = vector.shape_cast %broadcast_in_dim3A_19 : vector<16xi32> to vector<16xi32>
      tpu.vector_store %arg6[%swap3A_115], %swap3A_118 {strides = array<i32>} : memref<16xi32, #tpu.memory_space<vmem>>, vector<16xi32>,
      %scan3A_119 = arith.constant 0 : i32
      %scan3A_120 = arith.constant 0 : i32
      %scan3A_121 = arith.constant 256 : i32
      %scan3A_122 = arith.addi %scan3A_120, %scan3A_121 : i32
      %scan3A_123 = arith.constant 1 : i32
      %scan3A_124 = scf.for %scan3A_1120 = %scan3A_120 to %scan3A_122 step %scan3A_123 iter_args(%scan3A_1121 = %scan3A_119) -> (i32)  : i32 {
        %mul3A_1122 = arith.constant 16 : i32
        %mul3A_1123 = arith.muli %scan3A_1120, %mul3A_1122 : i32
        %get3A_1124 = arith.index_cast %mul3A_1123 : i32 to index
        %get3A_1125 = tpu.vector_load %arg5[%get3A_1124] {strides = array<i32>} : memref<4096xf32, #tpu.memory_space<vmem>>, vector<16xf32>,
        %get3A_1126 = vector.shape_cast %get3A_1125 : vector<16xf32> to vector<16xf32>
        %bitcast_convert_type3A = tpu.bitcast %get3A_1126 : vector<16xf32> -> vector<16xi32>
        %and3A = arith.constant 2147483647 : i32
        %and3A_1127 = vector.broadcast %and3A : i32 to vector<16xi32>
        %and3A_1128 = arith.andi %bitcast_convert_type3A, %and3A_1127 : vector<16xi32>
        %broadcast_in_dim3A_1129 = arith.constant 1 : i32
        %broadcast_in_dim3A_1130 = vector.broadcast %broadcast_in_dim3A_1129 : i32 to vector<16xi32>
        %get3A_1131 = arith.constant 0 : index
        %get3A_1132 = tpu.vector_load %arg6[%get3A_1131] {strides = array<i32>} : memref<16xi32, #tpu.memory_space<vmem>>, vector<16xi32>,
        %get3A_1133 = vector.shape_cast %get3A_1132 : vector<16xi32> to vector<16xi32>
        %ge3A_1134 = arith.cmpi sge, %and3A_1128, %or3A_114 : vector<16xi32>
        %select_n3A_1135 = arith.select %ge3A_1134, %broadcast_in_dim3A_1130, %broadcast_in_dim3A_19 : vector<16xi1>, vector<16xi32>
        %add3A_1136 = arith.addi %get3A_1133, %select_n3A_1135 : vector<16xi32>
        %swap3A_1137 = arith.constant 0 : index
        %swap3A_1138 = tpu.vector_load %arg6[%swap3A_1137] {strides = array<i32>} : memref<16xi32, #tpu.memory_space<vmem>>, vector<16xi32>,
        %swap3A_1139 = vector.shape_cast %swap3A_1138 : vector<16xi32> to vector<16xi32>
        %swap3A_1140 = vector.shape_cast %add3A_1136 : vector<16xi32> to vector<16xi32>
        tpu.vector_store %arg6[%swap3A_1137], %swap3A_1140 {strides = array<i32>} : memref<16xi32, #tpu.memory_space<vmem>>, vector<16xi32>,
        %scan3A_1141 = arith.constant 0 : i32
        scf.yield %scan3A_1141 : i32
      }
      %scan3A_125 = arith.constant 256 : i32
      %get3A_126 = arith.constant 0 : index
      %get3A_127 = tpu.vector_load %arg6[%get3A_126] {strides = array<i32>} : memref<16xi32, #tpu.memory_space<vmem>>, vector<16xi32>,
      %get3A_128 = vector.shape_cast %get3A_127 : vector<16xi32> to vector<16xi32>
      %iota3A_129 = tpu.iota {dimensions = array<i32: 0>} : vector<16xi32>
      %xor3A_130 = arith.constant 1 : i32
      %xor3A_131 = vector.broadcast %xor3A_130 : i32 to vector<16xi32>
      %xor3A_132 = arith.xori %iota3A_129, %xor3A_131 : vector<16xi32>
      %broadcast_in_dim3A_133 = vector.shape_cast %xor3A_132 : vector<16xi32> to vector<16x1xi32>
      %gather3A_134 = vector.shape_cast %broadcast_in_dim3A_133 : vector<16x1xi32> to vector<16xi32>
      %gather3A_135 = tpu.dynamic_gather %get3A_128[%gather3A_134] in [0] : vector<16xi32>, vector<16xi32> -> vector<16xi32>
      %add3A_136 = arith.addi %get3A_128, %gather3A_135 : vector<16xi32>
      %xor3A_137 = arith.constant 2 : i32
      %xor3A_138 = vector.broadcast %xor3A_137 : i32 to vector<16xi32>
      %xor3A_139 = arith.xori %iota3A_129, %xor3A_138 : vector<16xi32>
      %broadcast_in_dim3A_140 = vector.shape_cast %xor3A_139 : vector<16xi32> to vector<16x1xi32>
      %gather3A_141 = vector.shape_cast %broadcast_in_dim3A_140 : vector<16x1xi32> to vector<16xi32>
      %gather3A_142 = tpu.dynamic_gather %add3A_136[%gather3A_141] in [0] : vector<16xi32>, vector<16xi32> -> vector<16xi32>
      %add3A_143 = arith.addi %add3A_136, %gather3A_142 : vector<16xi32>
      %xor3A_144 = arith.constant 4 : i32
      %xor3A_145 = vector.broadcast %xor3A_144 : i32 to vector<16xi32>
      %xor3A_146 = arith.xori %iota3A_129, %xor3A_145 : vector<16xi32>
      %broadcast_in_dim3A_147 = vector.shape_cast %xor3A_146 : vector<16xi32> to vector<16x1xi32>
      %gather3A_148 = vector.shape_cast %broadcast_in_dim3A_147 : vector<16x1xi32> to vector<16xi32>
      %gather3A_149 = tpu.dynamic_gather %add3A_143[%gather3A_148] in [0] : vector<16xi32>, vector<16xi32> -> vector<16xi32>
      %add3A_150 = arith.addi %add3A_143, %gather3A_149 : vector<16xi32>
      %xor3A_151 = arith.constant 8 : i32
      %xor3A_152 = vector.broadcast %xor3A_151 : i32 to vector<16xi32>
      %xor3A_153 = arith.xori %iota3A_129, %xor3A_152 : vector<16xi32>
      %broadcast_in_dim3A_154 = vector.shape_cast %xor3A_153 : vector<16xi32> to vector<16x1xi32>
      %gather3A_155 = vector.shape_cast %broadcast_in_dim3A_154 : vector<16x1xi32> to vector<16xi32>
      %gather3A_156 = tpu.dynamic_gather %add3A_150[%gather3A_155] in [0] : vector<16xi32>, vector<16xi32> -> vector<16xi32>
      %add3A_157 = arith.addi %add3A_150, %gather3A_156 : vector<16xi32>
      %ge3A_158 = arith.constant 2048 : i32
      %ge3A_159 = vector.broadcast %ge3A_158 : i32 to vector<16xi32>
      %ge3A_160 = arith.cmpi sge, %add3A_157, %ge3A_159 : vector<16xi32>
      %select_n3A_161 = arith.select %ge3A_160, %or3A_114, %select_n3A_111 : vector<16xi1>, vector<16xi32>
      %or3A_162 = arith.constant 134217728 : i32
      %or3A_163 = vector.broadcast %or3A_162 : i32 to vector<16xi32>
      %or3A_164 = arith.ori %select_n3A_161, %or3A_163 : vector<16xi32>
      %swap3A_165 = arith.constant 0 : index
      %swap3A_166 = tpu.vector_load %arg6[%swap3A_165] {strides = array<i32>} : memref<16xi32, #tpu.memory_space<vmem>>, vector<16xi32>,
      %swap3A_167 = vector.shape_cast %swap3A_166 : vector<16xi32> to vector<16xi32>
      %swap3A_168 = vector.shape_cast %broadcast_in_dim3A_19 : vector<16xi32> to vector<16xi32>
      tpu.vector_store %arg6[%swap3A_165], %swap3A_168 {strides = array<i32>} : memref<16xi32, #tpu.memory_space<vmem>>, vector<16xi32>,
      %scan3A_169 = arith.constant 0 : i32
      %scan3A_170 = arith.constant 0 : i32
      %scan3A_171 = arith.constant 256 : i32
      %scan3A_172 = arith.addi %scan3A_170, %scan3A_171 : i32
      %scan3A_173 = arith.constant 1 : i32
      %scan3A_174 = scf.for %scan3A_1120 = %scan3A_170 to %scan3A_172 step %scan3A_173 iter_args(%scan3A_1121 = %scan3A_169) -> (i32)  : i32 {
        %mul3A_1122 = arith.constant 16 : i32
        %mul3A_1123 = arith.muli %scan3A_1120, %mul3A_1122 : i32
        %get3A_1124 = arith.index_cast %mul3A_1123 : i32 to index
        %get3A_1125 = tpu.vector_load %arg5[%get3A_1124] {strides = array<i32>} : memref<4096xf32, #tpu.memory_space<vmem>>, vector<16xf32>,
        %get3A_1126 = vector.shape_cast %get3A_1125 : vector<16xf32> to vector<16xf32>
        %bitcast_convert_type3A = tpu.bitcast %get3A_1126 : vector<16xf32> -> vector<16xi32>
        %and3A = arith.constant 2147483647 : i32
        %and3A_1127 = vector.broadcast %and3A : i32 to vector<16xi32>
        %and3A_1128 = arith.andi %bitcast_convert_type3A, %and3A_1127 : vector<16xi32>
        %broadcast_in_dim3A_1129 = arith.constant 1 : i32
        %broadcast_in_dim3A_1130 = vector.broadcast %broadcast_in_dim3A_1129 : i32 to vector<16xi32>
        %get3A_1131 = arith.constant 0 : index
        %get3A_1132 = tpu.vector_load %arg6[%get3A_1131] {strides = array<i32>} : memref<16xi32, #tpu.memory_space<vmem>>, vector<16xi32>,
        %get3A_1133 = vector.shape_cast %get3A_1132 : vector<16xi32> to vector<16xi32>
        %ge3A_1134 = arith.cmpi sge, %and3A_1128, %or3A_164 : vector<16xi32>
        %select_n3A_1135 = arith.select %ge3A_1134, %broadcast_in_dim3A_1130, %broadcast_in_dim3A_19 : vector<16xi1>, vector<16xi32>
        %add3A_1136 = arith.addi %get3A_1133, %select_n3A_1135 : vector<16xi32>
        %swap3A_1137 = arith.constant 0 : index
        %swap3A_1138 = tpu.vector_load %arg6[%swap3A_1137] {strides = array<i32>} : memref<16xi32, #tpu.memory_space<vmem>>, vector<16xi32>,
        %swap3A_1139 = vector.shape_cast %swap3A_1138 : vector<16xi32> to vector<16xi32>
        %swap3A_1140 = vector.shape_cast %add3A_1136 : vector<16xi32> to vector<16xi32>
        tpu.vector_store %arg6[%swap3A_1137], %swap3A_1140 {strides = array<i32>} : memref<16xi32, #tpu.memory_space<vmem>>, vector<16xi32>,
        %scan3A_1141 = arith.constant 0 : i32
        scf.yield %scan3A_1141 : i32
      }
      %scan3A_175 = arith.constant 256 : i32
      %get3A_176 = arith.constant 0 : index
      %get3A_177 = tpu.vector_load %arg6[%get3A_176] {strides = array<i32>} : memref<16xi32, #tpu.memory_space<vmem>>, vector<16xi32>,
      %get3A_178 = vector.shape_cast %get3A_177 : vector<16xi32> to vector<16xi32>
      %iota3A_179 = tpu.iota {dimensions = array<i32: 0>} : vector<16xi32>
      %xor3A_180 = arith.constant 1 : i32
      %xor3A_181 = vector.broadcast %xor3A_180 : i32 to vector<16xi32>
      %xor3A_182 = arith.xori %iota3A_179, %xor3A_181 : vector<16xi32>
      %broadcast_in_dim3A_183 = vector.shape_cast %xor3A_182 : vector<16xi32> to vector<16x1xi32>
      %gather3A_184 = vector.shape_cast %broadcast_in_dim3A_183 : vector<16x1xi32> to vector<16xi32>
      %gather3A_185 = tpu.dynamic_gather %get3A_178[%gather3A_184] in [0] : vector<16xi32>, vector<16xi32> -> vector<16xi32>
      %add3A_186 = arith.addi %get3A_178, %gather3A_185 : vector<16xi32>
      %xor3A_187 = arith.constant 2 : i32
      %xor3A_188 = vector.broadcast %xor3A_187 : i32 to vector<16xi32>
      %xor3A_189 = arith.xori %iota3A_179, %xor3A_188 : vector<16xi32>
      %broadcast_in_dim3A_190 = vector.shape_cast %xor3A_189 : vector<16xi32> to vector<16x1xi32>
      %gather3A_191 = vector.shape_cast %broadcast_in_dim3A_190 : vector<16x1xi32> to vector<16xi32>
      %gather3A_192 = tpu.dynamic_gather %add3A_186[%gather3A_191] in [0] : vector<16xi32>, vector<16xi32> -> vector<16xi32>
      %add3A_193 = arith.addi %add3A_186, %gather3A_192 : vector<16xi32>
      %xor3A_194 = arith.constant 4 : i32
      %xor3A_195 = vector.broadcast %xor3A_194 : i32 to vector<16xi32>
      %xor3A_196 = arith.xori %iota3A_179, %xor3A_195 : vector<16xi32>
      %broadcast_in_dim3A_197 = vector.shape_cast %xor3A_196 : vector<16xi32> to vector<16x1xi32>
      %gather3A_198 = vector.shape_cast %broadcast_in_dim3A_197 : vector<16x1xi32> to vector<16xi32>
      %gather3A_199 = tpu.dynamic_gather %add3A_193[%gather3A_198] in [0] : vector<16xi32>, vector<16xi32> -> vector<16xi32>
      %add3A_200 = arith.addi %add3A_193, %gather3A_199 : vector<16xi32>
      %xor3A_201 = arith.constant 8 : i32
      %xor3A_202 = vector.broadcast %xor3A_201 : i32 to vector<16xi32>
      %xor3A_203 = arith.xori %iota3A_179, %xor3A_202 : vector<16xi32>
      %broadcast_in_dim3A_204 = vector.shape_cast %xor3A_203 : vector<16xi32> to vector<16x1xi32>
      %gather3A_205 = vector.shape_cast %broadcast_in_dim3A_204 : vector<16x1xi32> to vector<16xi32>
      %gather3A_206 = tpu.dynamic_gather %add3A_200[%gather3A_205] in [0] : vector<16xi32>, vector<16xi32> -> vector<16xi32>
      %add3A_207 = arith.addi %add3A_200, %gather3A_206 : vector<16xi32>
      %ge3A_208 = arith.constant 2048 : i32
      %ge3A_209 = vector.broadcast %ge3A_208 : i32 to vector<16xi32>
      %ge3A_210 = arith.cmpi sge, %add3A_207, %ge3A_209 : vector<16xi32>
      %select_n3A_211 = arith.select %ge3A_210, %or3A_164, %select_n3A_161 : vector<16xi1>, vector<16xi32>
      %or3A_212 = arith.constant 67108864 : i32
      %or3A_213 = vector.broadcast %or3A_212 : i32 to vector<16xi32>
      %or3A_214 = arith.ori %select_n3A_211, %or3A_213 : vector<16xi32>
      %swap3A_215 = arith.constant 0 : index
      %swap3A_216 = tpu.vector_load %arg6[%swap3A_215] {strides = array<i32>} : memref<16xi32, #tpu.memory_space<vmem>>, vector<16xi32>,
      %swap3A_217 = vector.shape_cast %swap3A_216 : vector<16xi32> to vector<16xi32>
      %swap3A_218 = vector.shape_cast %broadcast_in_dim3A_19 : vector<16xi32> to vector<16xi32>
      tpu.vector_store %arg6[%swap3A_215], %swap3A_218 {strides = array<i32>} : memref<16xi32, #tpu.memory_space<vmem>>, vector<16xi32>,
      %scan3A_219 = arith.constant 0 : i32
      %scan3A_220 = arith.constant 0 : i32
      %scan3A_221 = arith.constant 256 : i32
      %scan3A_222 = arith.addi %scan3A_220, %scan3A_221 : i32
      %scan3A_223 = arith.constant 1 : i32
      %scan3A_224 = scf.for %scan3A_1120 = %scan3A_220 to %scan3A_222 step %scan3A_223 iter_args(%scan3A_1121 = %scan3A_219) -> (i32)  : i32 {
        %mul3A_1122 = arith.constant 16 : i32
        %mul3A_1123 = arith.muli %scan3A_1120, %mul3A_1122 : i32
        %get3A_1124 = arith.index_cast %mul3A_1123 : i32 to index
        %get3A_1125 = tpu.vector_load %arg5[%get3A_1124] {strides = array<i32>} : memref<4096xf32, #tpu.memory_space<vmem>>, vector<16xf32>,
        %get3A_1126 = vector.shape_cast %get3A_1125 : vector<16xf32> to vector<16xf32>
        %bitcast_convert_type3A = tpu.bitcast %get3A_1126 : vector<16xf32> -> vector<16xi32>
        %and3A = arith.constant 2147483647 : i32
        %and3A_1127 = vector.broadcast %and3A : i32 to vector<16xi32>
        %and3A_1128 = arith.andi %bitcast_convert_type3A, %and3A_1127 : vector<16xi32>
        %broadcast_in_dim3A_1129 = arith.constant 1 : i32
        %broadcast_in_dim3A_1130 = vector.broadcast %broadcast_in_dim3A_1129 : i32 to vector<16xi32>
        %get3A_1131 = arith.constant 0 : index
        %get3A_1132 = tpu.vector_load %arg6[%get3A_1131] {strides = array<i32>} : memref<16xi32, #tpu.memory_space<vmem>>, vector<16xi32>,
        %get3A_1133 = vector.shape_cast %get3A_1132 : vector<16xi32> to vector<16xi32>
        %ge3A_1134 = arith.cmpi sge, %and3A_1128, %or3A_214 : vector<16xi32>
        %select_n3A_1135 = arith.select %ge3A_1134, %broadcast_in_dim3A_1130, %broadcast_in_dim3A_19 : vector<16xi1>, vector<16xi32>
        %add3A_1136 = arith.addi %get3A_1133, %select_n3A_1135 : vector<16xi32>
        %swap3A_1137 = arith.constant 0 : index
        %swap3A_1138 = tpu.vector_load %arg6[%swap3A_1137] {strides = array<i32>} : memref<16xi32, #tpu.memory_space<vmem>>, vector<16xi32>,
        %swap3A_1139 = vector.shape_cast %swap3A_1138 : vector<16xi32> to vector<16xi32>
        %swap3A_1140 = vector.shape_cast %add3A_1136 : vector<16xi32> to vector<16xi32>
        tpu.vector_store %arg6[%swap3A_1137], %swap3A_1140 {strides = array<i32>} : memref<16xi32, #tpu.memory_space<vmem>>, vector<16xi32>,
        %scan3A_1141 = arith.constant 0 : i32
        scf.yield %scan3A_1141 : i32
      }
      %scan3A_225 = arith.constant 256 : i32
      %get3A_226 = arith.constant 0 : index
      %get3A_227 = tpu.vector_load %arg6[%get3A_226] {strides = array<i32>} : memref<16xi32, #tpu.memory_space<vmem>>, vector<16xi32>,
      %get3A_228 = vector.shape_cast %get3A_227 : vector<16xi32> to vector<16xi32>
      %iota3A_229 = tpu.iota {dimensions = array<i32: 0>} : vector<16xi32>
      %xor3A_230 = arith.constant 1 : i32
      %xor3A_231 = vector.broadcast %xor3A_230 : i32 to vector<16xi32>
      %xor3A_232 = arith.xori %iota3A_229, %xor3A_231 : vector<16xi32>
      %broadcast_in_dim3A_233 = vector.shape_cast %xor3A_232 : vector<16xi32> to vector<16x1xi32>
      %gather3A_234 = vector.shape_cast %broadcast_in_dim3A_233 : vector<16x1xi32> to vector<16xi32>
      %gather3A_235 = tpu.dynamic_gather %get3A_228[%gather3A_234] in [0] : vector<16xi32>, vector<16xi32> -> vector<16xi32>
      %add3A_236 = arith.addi %get3A_228, %gather3A_235 : vector<16xi32>
      %xor3A_237 = arith.constant 2 : i32
      %xor3A_238 = vector.broadcast %xor3A_237 : i32 to vector<16xi32>
      %xor3A_239 = arith.xori %iota3A_229, %xor3A_238 : vector<16xi32>
      %broadcast_in_dim3A_240 = vector.shape_cast %xor3A_239 : vector<16xi32> to vector<16x1xi32>
      %gather3A_241 = vector.shape_cast %broadcast_in_dim3A_240 : vector<16x1xi32> to vector<16xi32>
      %gather3A_242 = tpu.dynamic_gather %add3A_236[%gather3A_241] in [0] : vector<16xi32>, vector<16xi32> -> vector<16xi32>
      %add3A_243 = arith.addi %add3A_236, %gather3A_242 : vector<16xi32>
      %xor3A_244 = arith.constant 4 : i32
      %xor3A_245 = vector.broadcast %xor3A_244 : i32 to vector<16xi32>
      %xor3A_246 = arith.xori %iota3A_229, %xor3A_245 : vector<16xi32>
      %broadcast_in_dim3A_247 = vector.shape_cast %xor3A_246 : vector<16xi32> to vector<16x1xi32>
      %gather3A_248 = vector.shape_cast %broadcast_in_dim3A_247 : vector<16x1xi32> to vector<16xi32>
      %gather3A_249 = tpu.dynamic_gather %add3A_243[%gather3A_248] in [0] : vector<16xi32>, vector<16xi32> -> vector<16xi32>
      %add3A_250 = arith.addi %add3A_243, %gather3A_249 : vector<16xi32>
      %xor3A_251 = arith.constant 8 : i32
      %xor3A_252 = vector.broadcast %xor3A_251 : i32 to vector<16xi32>
      %xor3A_253 = arith.xori %iota3A_229, %xor3A_252 : vector<16xi32>
      %broadcast_in_dim3A_254 = vector.shape_cast %xor3A_253 : vector<16xi32> to vector<16x1xi32>
      %gather3A_255 = vector.shape_cast %broadcast_in_dim3A_254 : vector<16x1xi32> to vector<16xi32>
      %gather3A_256 = tpu.dynamic_gather %add3A_250[%gather3A_255] in [0] : vector<16xi32>, vector<16xi32> -> vector<16xi32>
      %add3A_257 = arith.addi %add3A_250, %gather3A_256 : vector<16xi32>
      %ge3A_258 = arith.constant 2048 : i32
      %ge3A_259 = vector.broadcast %ge3A_258 : i32 to vector<16xi32>
      %ge3A_260 = arith.cmpi sge, %add3A_257, %ge3A_259 : vector<16xi32>
      %select_n3A_261 = arith.select %ge3A_260, %or3A_214, %select_n3A_211 : vector<16xi1>, vector<16xi32>
      %or3A_262 = arith.constant 33554432 : i32
      %or3A_263 = vector.broadcast %or3A_262 : i32 to vector<16xi32>
      %or3A_264 = arith.ori %select_n3A_261, %or3A_263 : vector<16xi32>
      %swap3A_265 = arith.constant 0 : index
      %swap3A_266 = tpu.vector_load %arg6[%swap3A_265] {strides = array<i32>} : memref<16xi32, #tpu.memory_space<vmem>>, vector<16xi32>,
      %swap3A_267 = vector.shape_cast %swap3A_266 : vector<16xi32> to vector<16xi32>
      %swap3A_268 = vector.shape_cast %broadcast_in_dim3A_19 : vector<16xi32> to vector<16xi32>
      tpu.vector_store %arg6[%swap3A_265], %swap3A_268 {strides = array<i32>} : memref<16xi32, #tpu.memory_space<vmem>>, vector<16xi32>,
      %scan3A_269 = arith.constant 0 : i32
      %scan3A_270 = arith.constant 0 : i32
      %scan3A_271 = arith.constant 256 : i32
      %scan3A_272 = arith.addi %scan3A_270, %scan3A_271 : i32
      %scan3A_273 = arith.constant 1 : i32
      %scan3A_274 = scf.for %scan3A_1120 = %scan3A_270 to %scan3A_272 step %scan3A_273 iter_args(%scan3A_1121 = %scan3A_269) -> (i32)  : i32 {
        %mul3A_1122 = arith.constant 16 : i32
        %mul3A_1123 = arith.muli %scan3A_1120, %mul3A_1122 : i32
        %get3A_1124 = arith.index_cast %mul3A_1123 : i32 to index
        %get3A_1125 = tpu.vector_load %arg5[%get3A_1124] {strides = array<i32>} : memref<4096xf32, #tpu.memory_space<vmem>>, vector<16xf32>,
        %get3A_1126 = vector.shape_cast %get3A_1125 : vector<16xf32> to vector<16xf32>
        %bitcast_convert_type3A = tpu.bitcast %get3A_1126 : vector<16xf32> -> vector<16xi32>
        %and3A = arith.constant 2147483647 : i32
        %and3A_1127 = vector.broadcast %and3A : i32 to vector<16xi32>
        %and3A_1128 = arith.andi %bitcast_convert_type3A, %and3A_1127 : vector<16xi32>
        %broadcast_in_dim3A_1129 = arith.constant 1 : i32
        %broadcast_in_dim3A_1130 = vector.broadcast %broadcast_in_dim3A_1129 : i32 to vector<16xi32>
        %get3A_1131 = arith.constant 0 : index
        %get3A_1132 = tpu.vector_load %arg6[%get3A_1131] {strides = array<i32>} : memref<16xi32, #tpu.memory_space<vmem>>, vector<16xi32>,
        %get3A_1133 = vector.shape_cast %get3A_1132 : vector<16xi32> to vector<16xi32>
        %ge3A_1134 = arith.cmpi sge, %and3A_1128, %or3A_264 : vector<16xi32>
        %select_n3A_1135 = arith.select %ge3A_1134, %broadcast_in_dim3A_1130, %broadcast_in_dim3A_19 : vector<16xi1>, vector<16xi32>
        %add3A_1136 = arith.addi %get3A_1133, %select_n3A_1135 : vector<16xi32>
        %swap3A_1137 = arith.constant 0 : index
        %swap3A_1138 = tpu.vector_load %arg6[%swap3A_1137] {strides = array<i32>} : memref<16xi32, #tpu.memory_space<vmem>>, vector<16xi32>,
        %swap3A_1139 = vector.shape_cast %swap3A_1138 : vector<16xi32> to vector<16xi32>
        %swap3A_1140 = vector.shape_cast %add3A_1136 : vector<16xi32> to vector<16xi32>
        tpu.vector_store %arg6[%swap3A_1137], %swap3A_1140 {strides = array<i32>} : memref<16xi32, #tpu.memory_space<vmem>>, vector<16xi32>,
        %scan3A_1141 = arith.constant 0 : i32
        scf.yield %scan3A_1141 : i32
      }
      %scan3A_275 = arith.constant 256 : i32
      %get3A_276 = arith.constant 0 : index
      %get3A_277 = tpu.vector_load %arg6[%get3A_276] {strides = array<i32>} : memref<16xi32, #tpu.memory_space<vmem>>, vector<16xi32>,
      %get3A_278 = vector.shape_cast %get3A_277 : vector<16xi32> to vector<16xi32>
      %iota3A_279 = tpu.iota {dimensions = array<i32: 0>} : vector<16xi32>
      %xor3A_280 = arith.constant 1 : i32
      %xor3A_281 = vector.broadcast %xor3A_280 : i32 to vector<16xi32>
      %xor3A_282 = arith.xori %iota3A_279, %xor3A_281 : vector<16xi32>
      %broadcast_in_dim3A_283 = vector.shape_cast %xor3A_282 : vector<16xi32> to vector<16x1xi32>
      %gather3A_284 = vector.shape_cast %broadcast_in_dim3A_283 : vector<16x1xi32> to vector<16xi32>
      %gather3A_285 = tpu.dynamic_gather %get3A_278[%gather3A_284] in [0] : vector<16xi32>, vector<16xi32> -> vector<16xi32>
      %add3A_286 = arith.addi %get3A_278, %gather3A_285 : vector<16xi32>
      %xor3A_287 = arith.constant 2 : i32
      %xor3A_288 = vector.broadcast %xor3A_287 : i32 to vector<16xi32>
      %xor3A_289 = arith.xori %iota3A_279, %xor3A_288 : vector<16xi32>
      %broadcast_in_dim3A_290 = vector.shape_cast %xor3A_289 : vector<16xi32> to vector<16x1xi32>
      %gather3A_291 = vector.shape_cast %broadcast_in_dim3A_290 : vector<16x1xi32> to vector<16xi32>
      %gather3A_292 = tpu.dynamic_gather %add3A_286[%gather3A_291] in [0] : vector<16xi32>, vector<16xi32> -> vector<16xi32>
      %add3A_293 = arith.addi %add3A_286, %gather3A_292 : vector<16xi32>
      %xor3A_294 = arith.constant 4 : i32
      %xor3A_295 = vector.broadcast %xor3A_294 : i32 to vector<16xi32>
      %xor3A_296 = arith.xori %iota3A_279, %xor3A_295 : vector<16xi32>
      %broadcast_in_dim3A_297 = vector.shape_cast %xor3A_296 : vector<16xi32> to vector<16x1xi32>
      %gather3A_298 = vector.shape_cast %broadcast_in_dim3A_297 : vector<16x1xi32> to vector<16xi32>
      %gather3A_299 = tpu.dynamic_gather %add3A_293[%gather3A_298] in [0] : vector<16xi32>, vector<16xi32> -> vector<16xi32>
      %add3A_300 = arith.addi %add3A_293, %gather3A_299 : vector<16xi32>
      %xor3A_301 = arith.constant 8 : i32
      %xor3A_302 = vector.broadcast %xor3A_301 : i32 to vector<16xi32>
      %xor3A_303 = arith.xori %iota3A_279, %xor3A_302 : vector<16xi32>
      %broadcast_in_dim3A_304 = vector.shape_cast %xor3A_303 : vector<16xi32> to vector<16x1xi32>
      %gather3A_305 = vector.shape_cast %broadcast_in_dim3A_304 : vector<16x1xi32> to vector<16xi32>
      %gather3A_306 = tpu.dynamic_gather %add3A_300[%gather3A_305] in [0] : vector<16xi32>, vector<16xi32> -> vector<16xi32>
      %add3A_307 = arith.addi %add3A_300, %gather3A_306 : vector<16xi32>
      %ge3A_308 = arith.constant 2048 : i32
      %ge3A_309 = vector.broadcast %ge3A_308 : i32 to vector<16xi32>
      %ge3A_310 = arith.cmpi sge, %add3A_307, %ge3A_309 : vector<16xi32>
      %select_n3A_311 = arith.select %ge3A_310, %or3A_264, %select_n3A_261 : vector<16xi1>, vector<16xi32>
      %or3A_312 = arith.constant 16777216 : i32
      %or3A_313 = vector.broadcast %or3A_312 : i32 to vector<16xi32>
      %or3A_314 = arith.ori %select_n3A_311, %or3A_313 : vector<16xi32>
      %swap3A_315 = arith.constant 0 : index
      %swap3A_316 = tpu.vector_load %arg6[%swap3A_315] {strides = array<i32>} : memref<16xi32, #tpu.memory_space<vmem>>, vector<16xi32>,
      %swap3A_317 = vector.shape_cast %swap3A_316 : vector<16xi32> to vector<16xi32>
      %swap3A_318 = vector.shape_cast %broadcast_in_dim3A_19 : vector<16xi32> to vector<16xi32>
      tpu.vector_store %arg6[%swap3A_315], %swap3A_318 {strides = array<i32>} : memref<16xi32, #tpu.memory_space<vmem>>, vector<16xi32>,
      %scan3A_319 = arith.constant 0 : i32
      %scan3A_320 = arith.constant 0 : i32
      %scan3A_321 = arith.constant 256 : i32
      %scan3A_322 = arith.addi %scan3A_320, %scan3A_321 : i32
      %scan3A_323 = arith.constant 1 : i32
      %scan3A_324 = scf.for %scan3A_1120 = %scan3A_320 to %scan3A_322 step %scan3A_323 iter_args(%scan3A_1121 = %scan3A_319) -> (i32)  : i32 {
        %mul3A_1122 = arith.constant 16 : i32
        %mul3A_1123 = arith.muli %scan3A_1120, %mul3A_1122 : i32
        %get3A_1124 = arith.index_cast %mul3A_1123 : i32 to index
        %get3A_1125 = tpu.vector_load %arg5[%get3A_1124] {strides = array<i32>} : memref<4096xf32, #tpu.memory_space<vmem>>, vector<16xf32>,
        %get3A_1126 = vector.shape_cast %get3A_1125 : vector<16xf32> to vector<16xf32>
        %bitcast_convert_type3A = tpu.bitcast %get3A_1126 : vector<16xf32> -> vector<16xi32>
        %and3A = arith.constant 2147483647 : i32
        %and3A_1127 = vector.broadcast %and3A : i32 to vector<16xi32>
        %and3A_1128 = arith.andi %bitcast_convert_type3A, %and3A_1127 : vector<16xi32>
        %broadcast_in_dim3A_1129 = arith.constant 1 : i32
        %broadcast_in_dim3A_1130 = vector.broadcast %broadcast_in_dim3A_1129 : i32 to vector<16xi32>
        %get3A_1131 = arith.constant 0 : index
        %get3A_1132 = tpu.vector_load %arg6[%get3A_1131] {strides = array<i32>} : memref<16xi32, #tpu.memory_space<vmem>>, vector<16xi32>,
        %get3A_1133 = vector.shape_cast %get3A_1132 : vector<16xi32> to vector<16xi32>
        %ge3A_1134 = arith.cmpi sge, %and3A_1128, %or3A_314 : vector<16xi32>
        %select_n3A_1135 = arith.select %ge3A_1134, %broadcast_in_dim3A_1130, %broadcast_in_dim3A_19 : vector<16xi1>, vector<16xi32>
        %add3A_1136 = arith.addi %get3A_1133, %select_n3A_1135 : vector<16xi32>
        %swap3A_1137 = arith.constant 0 : index
        %swap3A_1138 = tpu.vector_load %arg6[%swap3A_1137] {strides = array<i32>} : memref<16xi32, #tpu.memory_space<vmem>>, vector<16xi32>,
        %swap3A_1139 = vector.shape_cast %swap3A_1138 : vector<16xi32> to vector<16xi32>
        %swap3A_1140 = vector.shape_cast %add3A_1136 : vector<16xi32> to vector<16xi32>
        tpu.vector_store %arg6[%swap3A_1137], %swap3A_1140 {strides = array<i32>} : memref<16xi32, #tpu.memory_space<vmem>>, vector<16xi32>,
        %scan3A_1141 = arith.constant 0 : i32
        scf.yield %scan3A_1141 : i32
      }
      %scan3A_325 = arith.constant 256 : i32
      %get3A_326 = arith.constant 0 : index
      %get3A_327 = tpu.vector_load %arg6[%get3A_326] {strides = array<i32>} : memref<16xi32, #tpu.memory_space<vmem>>, vector<16xi32>,
      %get3A_328 = vector.shape_cast %get3A_327 : vector<16xi32> to vector<16xi32>
      %iota3A_329 = tpu.iota {dimensions = array<i32: 0>} : vector<16xi32>
      %xor3A_330 = arith.constant 1 : i32
      %xor3A_331 = vector.broadcast %xor3A_330 : i32 to vector<16xi32>
      %xor3A_332 = arith.xori %iota3A_329, %xor3A_331 : vector<16xi32>
      %broadcast_in_dim3A_333 = vector.shape_cast %xor3A_332 : vector<16xi32> to vector<16x1xi32>
      %gather3A_334 = vector.shape_cast %broadcast_in_dim3A_333 : vector<16x1xi32> to vector<16xi32>
      %gather3A_335 = tpu.dynamic_gather %get3A_328[%gather3A_334] in [0] : vector<16xi32>, vector<16xi32> -> vector<16xi32>
      %add3A_336 = arith.addi %get3A_328, %gather3A_335 : vector<16xi32>
      %xor3A_337 = arith.constant 2 : i32
      %xor3A_338 = vector.broadcast %xor3A_337 : i32 to vector<16xi32>
      %xor3A_339 = arith.xori %iota3A_329, %xor3A_338 : vector<16xi32>
      %broadcast_in_dim3A_340 = vector.shape_cast %xor3A_339 : vector<16xi32> to vector<16x1xi32>
      %gather3A_341 = vector.shape_cast %broadcast_in_dim3A_340 : vector<16x1xi32> to vector<16xi32>
      %gather3A_342 = tpu.dynamic_gather %add3A_336[%gather3A_341] in [0] : vector<16xi32>, vector<16xi32> -> vector<16xi32>
      %add3A_343 = arith.addi %add3A_336, %gather3A_342 : vector<16xi32>
      %xor3A_344 = arith.constant 4 : i32
      %xor3A_345 = vector.broadcast %xor3A_344 : i32 to vector<16xi32>
      %xor3A_346 = arith.xori %iota3A_329, %xor3A_345 : vector<16xi32>
      %broadcast_in_dim3A_347 = vector.shape_cast %xor3A_346 : vector<16xi32> to vector<16x1xi32>
      %gather3A_348 = vector.shape_cast %broadcast_in_dim3A_347 : vector<16x1xi32> to vector<16xi32>
      %gather3A_349 = tpu.dynamic_gather %add3A_343[%gather3A_348] in [0] : vector<16xi32>, vector<16xi32> -> vector<16xi32>
      %add3A_350 = arith.addi %add3A_343, %gather3A_349 : vector<16xi32>
      %xor3A_351 = arith.constant 8 : i32
      %xor3A_352 = vector.broadcast %xor3A_351 : i32 to vector<16xi32>
      %xor3A_353 = arith.xori %iota3A_329, %xor3A_352 : vector<16xi32>
      %broadcast_in_dim3A_354 = vector.shape_cast %xor3A_353 : vector<16xi32> to vector<16x1xi32>
      %gather3A_355 = vector.shape_cast %broadcast_in_dim3A_354 : vector<16x1xi32> to vector<16xi32>
      %gather3A_356 = tpu.dynamic_gather %add3A_350[%gather3A_355] in [0] : vector<16xi32>, vector<16xi32> -> vector<16xi32>
      %add3A_357 = arith.addi %add3A_350, %gather3A_356 : vector<16xi32>
      %ge3A_358 = arith.constant 2048 : i32
      %ge3A_359 = vector.broadcast %ge3A_358 : i32 to vector<16xi32>
      %ge3A_360 = arith.cmpi sge, %add3A_357, %ge3A_359 : vector<16xi32>
      %select_n3A_361 = arith.select %ge3A_360, %or3A_314, %select_n3A_311 : vector<16xi1>, vector<16xi32>
      %or3A_362 = arith.constant 8388608 : i32
      %or3A_363 = vector.broadcast %or3A_362 : i32 to vector<16xi32>
      %or3A_364 = arith.ori %select_n3A_361, %or3A_363 : vector<16xi32>
      %swap3A_365 = arith.constant 0 : index
      %swap3A_366 = tpu.vector_load %arg6[%swap3A_365] {strides = array<i32>} : memref<16xi32, #tpu.memory_space<vmem>>, vector<16xi32>,
      %swap3A_367 = vector.shape_cast %swap3A_366 : vector<16xi32> to vector<16xi32>
      %swap3A_368 = vector.shape_cast %broadcast_in_dim3A_19 : vector<16xi32> to vector<16xi32>
      tpu.vector_store %arg6[%swap3A_365], %swap3A_368 {strides = array<i32>} : memref<16xi32, #tpu.memory_space<vmem>>, vector<16xi32>,
      %scan3A_369 = arith.constant 0 : i32
      %scan3A_370 = arith.constant 0 : i32
      %scan3A_371 = arith.constant 256 : i32
      %scan3A_372 = arith.addi %scan3A_370, %scan3A_371 : i32
      %scan3A_373 = arith.constant 1 : i32
      %scan3A_374 = scf.for %scan3A_1120 = %scan3A_370 to %scan3A_372 step %scan3A_373 iter_args(%scan3A_1121 = %scan3A_369) -> (i32)  : i32 {
        %mul3A_1122 = arith.constant 16 : i32
        %mul3A_1123 = arith.muli %scan3A_1120, %mul3A_1122 : i32
        %get3A_1124 = arith.index_cast %mul3A_1123 : i32 to index
        %get3A_1125 = tpu.vector_load %arg5[%get3A_1124] {strides = array<i32>} : memref<4096xf32, #tpu.memory_space<vmem>>, vector<16xf32>,
        %get3A_1126 = vector.shape_cast %get3A_1125 : vector<16xf32> to vector<16xf32>
        %bitcast_convert_type3A = tpu.bitcast %get3A_1126 : vector<16xf32> -> vector<16xi32>
        %and3A = arith.constant 2147483647 : i32
        %and3A_1127 = vector.broadcast %and3A : i32 to vector<16xi32>
        %and3A_1128 = arith.andi %bitcast_convert_type3A, %and3A_1127 : vector<16xi32>
        %broadcast_in_dim3A_1129 = arith.constant 1 : i32
        %broadcast_in_dim3A_1130 = vector.broadcast %broadcast_in_dim3A_1129 : i32 to vector<16xi32>
        %get3A_1131 = arith.constant 0 : index
        %get3A_1132 = tpu.vector_load %arg6[%get3A_1131] {strides = array<i32>} : memref<16xi32, #tpu.memory_space<vmem>>, vector<16xi32>,
        %get3A_1133 = vector.shape_cast %get3A_1132 : vector<16xi32> to vector<16xi32>
        %ge3A_1134 = arith.cmpi sge, %and3A_1128, %or3A_364 : vector<16xi32>
        %select_n3A_1135 = arith.select %ge3A_1134, %broadcast_in_dim3A_1130, %broadcast_in_dim3A_19 : vector<16xi1>, vector<16xi32>
        %add3A_1136 = arith.addi %get3A_1133, %select_n3A_1135 : vector<16xi32>
        %swap3A_1137 = arith.constant 0 : index
        %swap3A_1138 = tpu.vector_load %arg6[%swap3A_1137] {strides = array<i32>} : memref<16xi32, #tpu.memory_space<vmem>>, vector<16xi32>,
        %swap3A_1139 = vector.shape_cast %swap3A_1138 : vector<16xi32> to vector<16xi32>
        %swap3A_1140 = vector.shape_cast %add3A_1136 : vector<16xi32> to vector<16xi32>
        tpu.vector_store %arg6[%swap3A_1137], %swap3A_1140 {strides = array<i32>} : memref<16xi32, #tpu.memory_space<vmem>>, vector<16xi32>,
        %scan3A_1141 = arith.constant 0 : i32
        scf.yield %scan3A_1141 : i32
      }
      %scan3A_375 = arith.constant 256 : i32
      %get3A_376 = arith.constant 0 : index
      %get3A_377 = tpu.vector_load %arg6[%get3A_376] {strides = array<i32>} : memref<16xi32, #tpu.memory_space<vmem>>, vector<16xi32>,
      %get3A_378 = vector.shape_cast %get3A_377 : vector<16xi32> to vector<16xi32>
      %iota3A_379 = tpu.iota {dimensions = array<i32: 0>} : vector<16xi32>
      %xor3A_380 = arith.constant 1 : i32
      %xor3A_381 = vector.broadcast %xor3A_380 : i32 to vector<16xi32>
      %xor3A_382 = arith.xori %iota3A_379, %xor3A_381 : vector<16xi32>
      %broadcast_in_dim3A_383 = vector.shape_cast %xor3A_382 : vector<16xi32> to vector<16x1xi32>
      %gather3A_384 = vector.shape_cast %broadcast_in_dim3A_383 : vector<16x1xi32> to vector<16xi32>
      %gather3A_385 = tpu.dynamic_gather %get3A_378[%gather3A_384] in [0] : vector<16xi32>, vector<16xi32> -> vector<16xi32>
      %add3A_386 = arith.addi %get3A_378, %gather3A_385 : vector<16xi32>
      %xor3A_387 = arith.constant 2 : i32
      %xor3A_388 = vector.broadcast %xor3A_387 : i32 to vector<16xi32>
      %xor3A_389 = arith.xori %iota3A_379, %xor3A_388 : vector<16xi32>
      %broadcast_in_dim3A_390 = vector.shape_cast %xor3A_389 : vector<16xi32> to vector<16x1xi32>
      %gather3A_391 = vector.shape_cast %broadcast_in_dim3A_390 : vector<16x1xi32> to vector<16xi32>
      %gather3A_392 = tpu.dynamic_gather %add3A_386[%gather3A_391] in [0] : vector<16xi32>, vector<16xi32> -> vector<16xi32>
      %add3A_393 = arith.addi %add3A_386, %gather3A_392 : vector<16xi32>
      %xor3A_394 = arith.constant 4 : i32
      %xor3A_395 = vector.broadcast %xor3A_394 : i32 to vector<16xi32>
      %xor3A_396 = arith.xori %iota3A_379, %xor3A_395 : vector<16xi32>
      %broadcast_in_dim3A_397 = vector.shape_cast %xor3A_396 : vector<16xi32> to vector<16x1xi32>
      %gather3A_398 = vector.shape_cast %broadcast_in_dim3A_397 : vector<16x1xi32> to vector<16xi32>
      %gather3A_399 = tpu.dynamic_gather %add3A_393[%gather3A_398] in [0] : vector<16xi32>, vector<16xi32> -> vector<16xi32>
      %add3A_400 = arith.addi %add3A_393, %gather3A_399 : vector<16xi32>
      %xor3A_401 = arith.constant 8 : i32
      %xor3A_402 = vector.broadcast %xor3A_401 : i32 to vector<16xi32>
      %xor3A_403 = arith.xori %iota3A_379, %xor3A_402 : vector<16xi32>
      %broadcast_in_dim3A_404 = vector.shape_cast %xor3A_403 : vector<16xi32> to vector<16x1xi32>
      %gather3A_405 = vector.shape_cast %broadcast_in_dim3A_404 : vector<16x1xi32> to vector<16xi32>
      %gather3A_406 = tpu.dynamic_gather %add3A_400[%gather3A_405] in [0] : vector<16xi32>, vector<16xi32> -> vector<16xi32>
      %add3A_407 = arith.addi %add3A_400, %gather3A_406 : vector<16xi32>
      %ge3A_408 = arith.constant 2048 : i32
      %ge3A_409 = vector.broadcast %ge3A_408 : i32 to vector<16xi32>
      %ge3A_410 = arith.cmpi sge, %add3A_407, %ge3A_409 : vector<16xi32>
      %select_n3A_411 = arith.select %ge3A_410, %or3A_364, %select_n3A_361 : vector<16xi1>, vector<16xi32>
      %or3A_412 = arith.constant 4194304 : i32
      %or3A_413 = vector.broadcast %or3A_412 : i32 to vector<16xi32>
      %or3A_414 = arith.ori %select_n3A_411, %or3A_413 : vector<16xi32>
      %swap3A_415 = arith.constant 0 : index
      %swap3A_416 = tpu.vector_load %arg6[%swap3A_415] {strides = array<i32>} : memref<16xi32, #tpu.memory_space<vmem>>, vector<16xi32>,
      %swap3A_417 = vector.shape_cast %swap3A_416 : vector<16xi32> to vector<16xi32>
      %swap3A_418 = vector.shape_cast %broadcast_in_dim3A_19 : vector<16xi32> to vector<16xi32>
      tpu.vector_store %arg6[%swap3A_415], %swap3A_418 {strides = array<i32>} : memref<16xi32, #tpu.memory_space<vmem>>, vector<16xi32>,
      %scan3A_419 = arith.constant 0 : i32
      %scan3A_420 = arith.constant 0 : i32
      %scan3A_421 = arith.constant 256 : i32
      %scan3A_422 = arith.addi %scan3A_420, %scan3A_421 : i32
      %scan3A_423 = arith.constant 1 : i32
      %scan3A_424 = scf.for %scan3A_1120 = %scan3A_420 to %scan3A_422 step %scan3A_423 iter_args(%scan3A_1121 = %scan3A_419) -> (i32)  : i32 {
        %mul3A_1122 = arith.constant 16 : i32
        %mul3A_1123 = arith.muli %scan3A_1120, %mul3A_1122 : i32
        %get3A_1124 = arith.index_cast %mul3A_1123 : i32 to index
        %get3A_1125 = tpu.vector_load %arg5[%get3A_1124] {strides = array<i32>} : memref<4096xf32, #tpu.memory_space<vmem>>, vector<16xf32>,
        %get3A_1126 = vector.shape_cast %get3A_1125 : vector<16xf32> to vector<16xf32>
        %bitcast_convert_type3A = tpu.bitcast %get3A_1126 : vector<16xf32> -> vector<16xi32>
        %and3A = arith.constant 2147483647 : i32
        %and3A_1127 = vector.broadcast %and3A : i32 to vector<16xi32>
        %and3A_1128 = arith.andi %bitcast_convert_type3A, %and3A_1127 : vector<16xi32>
        %broadcast_in_dim3A_1129 = arith.constant 1 : i32
        %broadcast_in_dim3A_1130 = vector.broadcast %broadcast_in_dim3A_1129 : i32 to vector<16xi32>
        %get3A_1131 = arith.constant 0 : index
        %get3A_1132 = tpu.vector_load %arg6[%get3A_1131] {strides = array<i32>} : memref<16xi32, #tpu.memory_space<vmem>>, vector<16xi32>,
        %get3A_1133 = vector.shape_cast %get3A_1132 : vector<16xi32> to vector<16xi32>
        %ge3A_1134 = arith.cmpi sge, %and3A_1128, %or3A_414 : vector<16xi32>
        %select_n3A_1135 = arith.select %ge3A_1134, %broadcast_in_dim3A_1130, %broadcast_in_dim3A_19 : vector<16xi1>, vector<16xi32>
        %add3A_1136 = arith.addi %get3A_1133, %select_n3A_1135 : vector<16xi32>
        %swap3A_1137 = arith.constant 0 : index
        %swap3A_1138 = tpu.vector_load %arg6[%swap3A_1137] {strides = array<i32>} : memref<16xi32, #tpu.memory_space<vmem>>, vector<16xi32>,
        %swap3A_1139 = vector.shape_cast %swap3A_1138 : vector<16xi32> to vector<16xi32>
        %swap3A_1140 = vector.shape_cast %add3A_1136 : vector<16xi32> to vector<16xi32>
        tpu.vector_store %arg6[%swap3A_1137], %swap3A_1140 {strides = array<i32>} : memref<16xi32, #tpu.memory_space<vmem>>, vector<16xi32>,
        %scan3A_1141 = arith.constant 0 : i32
        scf.yield %scan3A_1141 : i32
      }
      %scan3A_425 = arith.constant 256 : i32
      %get3A_426 = arith.constant 0 : index
      %get3A_427 = tpu.vector_load %arg6[%get3A_426] {strides = array<i32>} : memref<16xi32, #tpu.memory_space<vmem>>, vector<16xi32>,
      %get3A_428 = vector.shape_cast %get3A_427 : vector<16xi32> to vector<16xi32>
      %iota3A_429 = tpu.iota {dimensions = array<i32: 0>} : vector<16xi32>
      %xor3A_430 = arith.constant 1 : i32
      %xor3A_431 = vector.broadcast %xor3A_430 : i32 to vector<16xi32>
      %xor3A_432 = arith.xori %iota3A_429, %xor3A_431 : vector<16xi32>
      %broadcast_in_dim3A_433 = vector.shape_cast %xor3A_432 : vector<16xi32> to vector<16x1xi32>
      %gather3A_434 = vector.shape_cast %broadcast_in_dim3A_433 : vector<16x1xi32> to vector<16xi32>
      %gather3A_435 = tpu.dynamic_gather %get3A_428[%gather3A_434] in [0] : vector<16xi32>, vector<16xi32> -> vector<16xi32>
      %add3A_436 = arith.addi %get3A_428, %gather3A_435 : vector<16xi32>
      %xor3A_437 = arith.constant 2 : i32
      %xor3A_438 = vector.broadcast %xor3A_437 : i32 to vector<16xi32>
      %xor3A_439 = arith.xori %iota3A_429, %xor3A_438 : vector<16xi32>
      %broadcast_in_dim3A_440 = vector.shape_cast %xor3A_439 : vector<16xi32> to vector<16x1xi32>
      %gather3A_441 = vector.shape_cast %broadcast_in_dim3A_440 : vector<16x1xi32> to vector<16xi32>
      %gather3A_442 = tpu.dynamic_gather %add3A_436[%gather3A_441] in [0] : vector<16xi32>, vector<16xi32> -> vector<16xi32>
      %add3A_443 = arith.addi %add3A_436, %gather3A_442 : vector<16xi32>
      %xor3A_444 = arith.constant 4 : i32
      %xor3A_445 = vector.broadcast %xor3A_444 : i32 to vector<16xi32>
      %xor3A_446 = arith.xori %iota3A_429, %xor3A_445 : vector<16xi32>
      %broadcast_in_dim3A_447 = vector.shape_cast %xor3A_446 : vector<16xi32> to vector<16x1xi32>
      %gather3A_448 = vector.shape_cast %broadcast_in_dim3A_447 : vector<16x1xi32> to vector<16xi32>
      %gather3A_449 = tpu.dynamic_gather %add3A_443[%gather3A_448] in [0] : vector<16xi32>, vector<16xi32> -> vector<16xi32>
      %add3A_450 = arith.addi %add3A_443, %gather3A_449 : vector<16xi32>
      %xor3A_451 = arith.constant 8 : i32
      %xor3A_452 = vector.broadcast %xor3A_451 : i32 to vector<16xi32>
      %xor3A_453 = arith.xori %iota3A_429, %xor3A_452 : vector<16xi32>
      %broadcast_in_dim3A_454 = vector.shape_cast %xor3A_453 : vector<16xi32> to vector<16x1xi32>
      %gather3A_455 = vector.shape_cast %broadcast_in_dim3A_454 : vector<16x1xi32> to vector<16xi32>
      %gather3A_456 = tpu.dynamic_gather %add3A_450[%gather3A_455] in [0] : vector<16xi32>, vector<16xi32> -> vector<16xi32>
      %add3A_457 = arith.addi %add3A_450, %gather3A_456 : vector<16xi32>
      %ge3A_458 = arith.constant 2048 : i32
      %ge3A_459 = vector.broadcast %ge3A_458 : i32 to vector<16xi32>
      %ge3A_460 = arith.cmpi sge, %add3A_457, %ge3A_459 : vector<16xi32>
      %select_n3A_461 = arith.select %ge3A_460, %or3A_414, %select_n3A_411 : vector<16xi1>, vector<16xi32>
      %or3A_462 = arith.constant 2097152 : i32
      %or3A_463 = vector.broadcast %or3A_462 : i32 to vector<16xi32>
      %or3A_464 = arith.ori %select_n3A_461, %or3A_463 : vector<16xi32>
      %swap3A_465 = arith.constant 0 : index
      %swap3A_466 = tpu.vector_load %arg6[%swap3A_465] {strides = array<i32>} : memref<16xi32, #tpu.memory_space<vmem>>, vector<16xi32>,
      %swap3A_467 = vector.shape_cast %swap3A_466 : vector<16xi32> to vector<16xi32>
      %swap3A_468 = vector.shape_cast %broadcast_in_dim3A_19 : vector<16xi32> to vector<16xi32>
      tpu.vector_store %arg6[%swap3A_465], %swap3A_468 {strides = array<i32>} : memref<16xi32, #tpu.memory_space<vmem>>, vector<16xi32>,
      %scan3A_469 = arith.constant 0 : i32
      %scan3A_470 = arith.constant 0 : i32
      %scan3A_471 = arith.constant 256 : i32
      %scan3A_472 = arith.addi %scan3A_470, %scan3A_471 : i32
      %scan3A_473 = arith.constant 1 : i32
      %scan3A_474 = scf.for %scan3A_1120 = %scan3A_470 to %scan3A_472 step %scan3A_473 iter_args(%scan3A_1121 = %scan3A_469) -> (i32)  : i32 {
        %mul3A_1122 = arith.constant 16 : i32
        %mul3A_1123 = arith.muli %scan3A_1120, %mul3A_1122 : i32
        %get3A_1124 = arith.index_cast %mul3A_1123 : i32 to index
        %get3A_1125 = tpu.vector_load %arg5[%get3A_1124] {strides = array<i32>} : memref<4096xf32, #tpu.memory_space<vmem>>, vector<16xf32>,
        %get3A_1126 = vector.shape_cast %get3A_1125 : vector<16xf32> to vector<16xf32>
        %bitcast_convert_type3A = tpu.bitcast %get3A_1126 : vector<16xf32> -> vector<16xi32>
        %and3A = arith.constant 2147483647 : i32
        %and3A_1127 = vector.broadcast %and3A : i32 to vector<16xi32>
        %and3A_1128 = arith.andi %bitcast_convert_type3A, %and3A_1127 : vector<16xi32>
        %broadcast_in_dim3A_1129 = arith.constant 1 : i32
        %broadcast_in_dim3A_1130 = vector.broadcast %broadcast_in_dim3A_1129 : i32 to vector<16xi32>
        %get3A_1131 = arith.constant 0 : index
        %get3A_1132 = tpu.vector_load %arg6[%get3A_1131] {strides = array<i32>} : memref<16xi32, #tpu.memory_space<vmem>>, vector<16xi32>,
        %get3A_1133 = vector.shape_cast %get3A_1132 : vector<16xi32> to vector<16xi32>
        %ge3A_1134 = arith.cmpi sge, %and3A_1128, %or3A_464 : vector<16xi32>
        %select_n3A_1135 = arith.select %ge3A_1134, %broadcast_in_dim3A_1130, %broadcast_in_dim3A_19 : vector<16xi1>, vector<16xi32>
        %add3A_1136 = arith.addi %get3A_1133, %select_n3A_1135 : vector<16xi32>
        %swap3A_1137 = arith.constant 0 : index
        %swap3A_1138 = tpu.vector_load %arg6[%swap3A_1137] {strides = array<i32>} : memref<16xi32, #tpu.memory_space<vmem>>, vector<16xi32>,
        %swap3A_1139 = vector.shape_cast %swap3A_1138 : vector<16xi32> to vector<16xi32>
        %swap3A_1140 = vector.shape_cast %add3A_1136 : vector<16xi32> to vector<16xi32>
        tpu.vector_store %arg6[%swap3A_1137], %swap3A_1140 {strides = array<i32>} : memref<16xi32, #tpu.memory_space<vmem>>, vector<16xi32>,
        %scan3A_1141 = arith.constant 0 : i32
        scf.yield %scan3A_1141 : i32
      }
      %scan3A_475 = arith.constant 256 : i32
      %get3A_476 = arith.constant 0 : index
      %get3A_477 = tpu.vector_load %arg6[%get3A_476] {strides = array<i32>} : memref<16xi32, #tpu.memory_space<vmem>>, vector<16xi32>,
      %get3A_478 = vector.shape_cast %get3A_477 : vector<16xi32> to vector<16xi32>
      %iota3A_479 = tpu.iota {dimensions = array<i32: 0>} : vector<16xi32>
      %xor3A_480 = arith.constant 1 : i32
      %xor3A_481 = vector.broadcast %xor3A_480 : i32 to vector<16xi32>
      %xor3A_482 = arith.xori %iota3A_479, %xor3A_481 : vector<16xi32>
      %broadcast_in_dim3A_483 = vector.shape_cast %xor3A_482 : vector<16xi32> to vector<16x1xi32>
      %gather3A_484 = vector.shape_cast %broadcast_in_dim3A_483 : vector<16x1xi32> to vector<16xi32>
      %gather3A_485 = tpu.dynamic_gather %get3A_478[%gather3A_484] in [0] : vector<16xi32>, vector<16xi32> -> vector<16xi32>
      %add3A_486 = arith.addi %get3A_478, %gather3A_485 : vector<16xi32>
      %xor3A_487 = arith.constant 2 : i32
      %xor3A_488 = vector.broadcast %xor3A_487 : i32 to vector<16xi32>
      %xor3A_489 = arith.xori %iota3A_479, %xor3A_488 : vector<16xi32>
      %broadcast_in_dim3A_490 = vector.shape_cast %xor3A_489 : vector<16xi32> to vector<16x1xi32>
      %gather3A_491 = vector.shape_cast %broadcast_in_dim3A_490 : vector<16x1xi32> to vector<16xi32>
      %gather3A_492 = tpu.dynamic_gather %add3A_486[%gather3A_491] in [0] : vector<16xi32>, vector<16xi32> -> vector<16xi32>
      %add3A_493 = arith.addi %add3A_486, %gather3A_492 : vector<16xi32>
      %xor3A_494 = arith.constant 4 : i32
      %xor3A_495 = vector.broadcast %xor3A_494 : i32 to vector<16xi32>
      %xor3A_496 = arith.xori %iota3A_479, %xor3A_495 : vector<16xi32>
      %broadcast_in_dim3A_497 = vector.shape_cast %xor3A_496 : vector<16xi32> to vector<16x1xi32>
      %gather3A_498 = vector.shape_cast %broadcast_in_dim3A_497 : vector<16x1xi32> to vector<16xi32>
      %gather3A_499 = tpu.dynamic_gather %add3A_493[%gather3A_498] in [0] : vector<16xi32>, vector<16xi32> -> vector<16xi32>
      %add3A_500 = arith.addi %add3A_493, %gather3A_499 : vector<16xi32>
      %xor3A_501 = arith.constant 8 : i32
      %xor3A_502 = vector.broadcast %xor3A_501 : i32 to vector<16xi32>
      %xor3A_503 = arith.xori %iota3A_479, %xor3A_502 : vector<16xi32>
      %broadcast_in_dim3A_504 = vector.shape_cast %xor3A_503 : vector<16xi32> to vector<16x1xi32>
      %gather3A_505 = vector.shape_cast %broadcast_in_dim3A_504 : vector<16x1xi32> to vector<16xi32>
      %gather3A_506 = tpu.dynamic_gather %add3A_500[%gather3A_505] in [0] : vector<16xi32>, vector<16xi32> -> vector<16xi32>
      %add3A_507 = arith.addi %add3A_500, %gather3A_506 : vector<16xi32>
      %ge3A_508 = arith.constant 2048 : i32
      %ge3A_509 = vector.broadcast %ge3A_508 : i32 to vector<16xi32>
      %ge3A_510 = arith.cmpi sge, %add3A_507, %ge3A_509 : vector<16xi32>
      %select_n3A_511 = arith.select %ge3A_510, %or3A_464, %select_n3A_461 : vector<16xi1>, vector<16xi32>
      %or3A_512 = arith.constant 1048576 : i32
      %or3A_513 = vector.broadcast %or3A_512 : i32 to vector<16xi32>
      %or3A_514 = arith.ori %select_n3A_511, %or3A_513 : vector<16xi32>
      %swap3A_515 = arith.constant 0 : index
      %swap3A_516 = tpu.vector_load %arg6[%swap3A_515] {strides = array<i32>} : memref<16xi32, #tpu.memory_space<vmem>>, vector<16xi32>,
      %swap3A_517 = vector.shape_cast %swap3A_516 : vector<16xi32> to vector<16xi32>
      %swap3A_518 = vector.shape_cast %broadcast_in_dim3A_19 : vector<16xi32> to vector<16xi32>
      tpu.vector_store %arg6[%swap3A_515], %swap3A_518 {strides = array<i32>} : memref<16xi32, #tpu.memory_space<vmem>>, vector<16xi32>,
      %scan3A_519 = arith.constant 0 : i32
      %scan3A_520 = arith.constant 0 : i32
      %scan3A_521 = arith.constant 256 : i32
      %scan3A_522 = arith.addi %scan3A_520, %scan3A_521 : i32
      %scan3A_523 = arith.constant 1 : i32
      %scan3A_524 = scf.for %scan3A_1120 = %scan3A_520 to %scan3A_522 step %scan3A_523 iter_args(%scan3A_1121 = %scan3A_519) -> (i32)  : i32 {
        %mul3A_1122 = arith.constant 16 : i32
        %mul3A_1123 = arith.muli %scan3A_1120, %mul3A_1122 : i32
        %get3A_1124 = arith.index_cast %mul3A_1123 : i32 to index
        %get3A_1125 = tpu.vector_load %arg5[%get3A_1124] {strides = array<i32>} : memref<4096xf32, #tpu.memory_space<vmem>>, vector<16xf32>,
        %get3A_1126 = vector.shape_cast %get3A_1125 : vector<16xf32> to vector<16xf32>
        %bitcast_convert_type3A = tpu.bitcast %get3A_1126 : vector<16xf32> -> vector<16xi32>
        %and3A = arith.constant 2147483647 : i32
        %and3A_1127 = vector.broadcast %and3A : i32 to vector<16xi32>
        %and3A_1128 = arith.andi %bitcast_convert_type3A, %and3A_1127 : vector<16xi32>
        %broadcast_in_dim3A_1129 = arith.constant 1 : i32
        %broadcast_in_dim3A_1130 = vector.broadcast %broadcast_in_dim3A_1129 : i32 to vector<16xi32>
        %get3A_1131 = arith.constant 0 : index
        %get3A_1132 = tpu.vector_load %arg6[%get3A_1131] {strides = array<i32>} : memref<16xi32, #tpu.memory_space<vmem>>, vector<16xi32>,
        %get3A_1133 = vector.shape_cast %get3A_1132 : vector<16xi32> to vector<16xi32>
        %ge3A_1134 = arith.cmpi sge, %and3A_1128, %or3A_514 : vector<16xi32>
        %select_n3A_1135 = arith.select %ge3A_1134, %broadcast_in_dim3A_1130, %broadcast_in_dim3A_19 : vector<16xi1>, vector<16xi32>
        %add3A_1136 = arith.addi %get3A_1133, %select_n3A_1135 : vector<16xi32>
        %swap3A_1137 = arith.constant 0 : index
        %swap3A_1138 = tpu.vector_load %arg6[%swap3A_1137] {strides = array<i32>} : memref<16xi32, #tpu.memory_space<vmem>>, vector<16xi32>,
        %swap3A_1139 = vector.shape_cast %swap3A_1138 : vector<16xi32> to vector<16xi32>
        %swap3A_1140 = vector.shape_cast %add3A_1136 : vector<16xi32> to vector<16xi32>
        tpu.vector_store %arg6[%swap3A_1137], %swap3A_1140 {strides = array<i32>} : memref<16xi32, #tpu.memory_space<vmem>>, vector<16xi32>,
        %scan3A_1141 = arith.constant 0 : i32
        scf.yield %scan3A_1141 : i32
      }
      %scan3A_525 = arith.constant 256 : i32
      %get3A_526 = arith.constant 0 : index
      %get3A_527 = tpu.vector_load %arg6[%get3A_526] {strides = array<i32>} : memref<16xi32, #tpu.memory_space<vmem>>, vector<16xi32>,
      %get3A_528 = vector.shape_cast %get3A_527 : vector<16xi32> to vector<16xi32>
      %iota3A_529 = tpu.iota {dimensions = array<i32: 0>} : vector<16xi32>
      %xor3A_530 = arith.constant 1 : i32
      %xor3A_531 = vector.broadcast %xor3A_530 : i32 to vector<16xi32>
      %xor3A_532 = arith.xori %iota3A_529, %xor3A_531 : vector<16xi32>
      %broadcast_in_dim3A_533 = vector.shape_cast %xor3A_532 : vector<16xi32> to vector<16x1xi32>
      %gather3A_534 = vector.shape_cast %broadcast_in_dim3A_533 : vector<16x1xi32> to vector<16xi32>
      %gather3A_535 = tpu.dynamic_gather %get3A_528[%gather3A_534] in [0] : vector<16xi32>, vector<16xi32> -> vector<16xi32>
      %add3A_536 = arith.addi %get3A_528, %gather3A_535 : vector<16xi32>
      %xor3A_537 = arith.constant 2 : i32
      %xor3A_538 = vector.broadcast %xor3A_537 : i32 to vector<16xi32>
      %xor3A_539 = arith.xori %iota3A_529, %xor3A_538 : vector<16xi32>
      %broadcast_in_dim3A_540 = vector.shape_cast %xor3A_539 : vector<16xi32> to vector<16x1xi32>
      %gather3A_541 = vector.shape_cast %broadcast_in_dim3A_540 : vector<16x1xi32> to vector<16xi32>
      %gather3A_542 = tpu.dynamic_gather %add3A_536[%gather3A_541] in [0] : vector<16xi32>, vector<16xi32> -> vector<16xi32>
      %add3A_543 = arith.addi %add3A_536, %gather3A_542 : vector<16xi32>
      %xor3A_544 = arith.constant 4 : i32
      %xor3A_545 = vector.broadcast %xor3A_544 : i32 to vector<16xi32>
      %xor3A_546 = arith.xori %iota3A_529, %xor3A_545 : vector<16xi32>
      %broadcast_in_dim3A_547 = vector.shape_cast %xor3A_546 : vector<16xi32> to vector<16x1xi32>
      %gather3A_548 = vector.shape_cast %broadcast_in_dim3A_547 : vector<16x1xi32> to vector<16xi32>
      %gather3A_549 = tpu.dynamic_gather %add3A_543[%gather3A_548] in [0] : vector<16xi32>, vector<16xi32> -> vector<16xi32>
      %add3A_550 = arith.addi %add3A_543, %gather3A_549 : vector<16xi32>
      %xor3A_551 = arith.constant 8 : i32
      %xor3A_552 = vector.broadcast %xor3A_551 : i32 to vector<16xi32>
      %xor3A_553 = arith.xori %iota3A_529, %xor3A_552 : vector<16xi32>
      %broadcast_in_dim3A_554 = vector.shape_cast %xor3A_553 : vector<16xi32> to vector<16x1xi32>
      %gather3A_555 = vector.shape_cast %broadcast_in_dim3A_554 : vector<16x1xi32> to vector<16xi32>
      %gather3A_556 = tpu.dynamic_gather %add3A_550[%gather3A_555] in [0] : vector<16xi32>, vector<16xi32> -> vector<16xi32>
      %add3A_557 = arith.addi %add3A_550, %gather3A_556 : vector<16xi32>
      %ge3A_558 = arith.constant 2048 : i32
      %ge3A_559 = vector.broadcast %ge3A_558 : i32 to vector<16xi32>
      %ge3A_560 = arith.cmpi sge, %add3A_557, %ge3A_559 : vector<16xi32>
      %select_n3A_561 = arith.select %ge3A_560, %or3A_514, %select_n3A_511 : vector<16xi1>, vector<16xi32>
      %or3A_562 = arith.constant 524288 : i32
      %or3A_563 = vector.broadcast %or3A_562 : i32 to vector<16xi32>
      %or3A_564 = arith.ori %select_n3A_561, %or3A_563 : vector<16xi32>
      %swap3A_565 = arith.constant 0 : index
      %swap3A_566 = tpu.vector_load %arg6[%swap3A_565] {strides = array<i32>} : memref<16xi32, #tpu.memory_space<vmem>>, vector<16xi32>,
      %swap3A_567 = vector.shape_cast %swap3A_566 : vector<16xi32> to vector<16xi32>
      %swap3A_568 = vector.shape_cast %broadcast_in_dim3A_19 : vector<16xi32> to vector<16xi32>
      tpu.vector_store %arg6[%swap3A_565], %swap3A_568 {strides = array<i32>} : memref<16xi32, #tpu.memory_space<vmem>>, vector<16xi32>,
      %scan3A_569 = arith.constant 0 : i32
      %scan3A_570 = arith.constant 0 : i32
      %scan3A_571 = arith.constant 256 : i32
      %scan3A_572 = arith.addi %scan3A_570, %scan3A_571 : i32
      %scan3A_573 = arith.constant 1 : i32
      %scan3A_574 = scf.for %scan3A_1120 = %scan3A_570 to %scan3A_572 step %scan3A_573 iter_args(%scan3A_1121 = %scan3A_569) -> (i32)  : i32 {
        %mul3A_1122 = arith.constant 16 : i32
        %mul3A_1123 = arith.muli %scan3A_1120, %mul3A_1122 : i32
        %get3A_1124 = arith.index_cast %mul3A_1123 : i32 to index
        %get3A_1125 = tpu.vector_load %arg5[%get3A_1124] {strides = array<i32>} : memref<4096xf32, #tpu.memory_space<vmem>>, vector<16xf32>,
        %get3A_1126 = vector.shape_cast %get3A_1125 : vector<16xf32> to vector<16xf32>
        %bitcast_convert_type3A = tpu.bitcast %get3A_1126 : vector<16xf32> -> vector<16xi32>
        %and3A = arith.constant 2147483647 : i32
        %and3A_1127 = vector.broadcast %and3A : i32 to vector<16xi32>
        %and3A_1128 = arith.andi %bitcast_convert_type3A, %and3A_1127 : vector<16xi32>
        %broadcast_in_dim3A_1129 = arith.constant 1 : i32
        %broadcast_in_dim3A_1130 = vector.broadcast %broadcast_in_dim3A_1129 : i32 to vector<16xi32>
        %get3A_1131 = arith.constant 0 : index
        %get3A_1132 = tpu.vector_load %arg6[%get3A_1131] {strides = array<i32>} : memref<16xi32, #tpu.memory_space<vmem>>, vector<16xi32>,
        %get3A_1133 = vector.shape_cast %get3A_1132 : vector<16xi32> to vector<16xi32>
        %ge3A_1134 = arith.cmpi sge, %and3A_1128, %or3A_564 : vector<16xi32>
        %select_n3A_1135 = arith.select %ge3A_1134, %broadcast_in_dim3A_1130, %broadcast_in_dim3A_19 : vector<16xi1>, vector<16xi32>
        %add3A_1136 = arith.addi %get3A_1133, %select_n3A_1135 : vector<16xi32>
        %swap3A_1137 = arith.constant 0 : index
        %swap3A_1138 = tpu.vector_load %arg6[%swap3A_1137] {strides = array<i32>} : memref<16xi32, #tpu.memory_space<vmem>>, vector<16xi32>,
        %swap3A_1139 = vector.shape_cast %swap3A_1138 : vector<16xi32> to vector<16xi32>
        %swap3A_1140 = vector.shape_cast %add3A_1136 : vector<16xi32> to vector<16xi32>
        tpu.vector_store %arg6[%swap3A_1137], %swap3A_1140 {strides = array<i32>} : memref<16xi32, #tpu.memory_space<vmem>>, vector<16xi32>,
        %scan3A_1141 = arith.constant 0 : i32
        scf.yield %scan3A_1141 : i32
      }
      %scan3A_575 = arith.constant 256 : i32
      %get3A_576 = arith.constant 0 : index
      %get3A_577 = tpu.vector_load %arg6[%get3A_576] {strides = array<i32>} : memref<16xi32, #tpu.memory_space<vmem>>, vector<16xi32>,
      %get3A_578 = vector.shape_cast %get3A_577 : vector<16xi32> to vector<16xi32>
      %iota3A_579 = tpu.iota {dimensions = array<i32: 0>} : vector<16xi32>
      %xor3A_580 = arith.constant 1 : i32
      %xor3A_581 = vector.broadcast %xor3A_580 : i32 to vector<16xi32>
      %xor3A_582 = arith.xori %iota3A_579, %xor3A_581 : vector<16xi32>
      %broadcast_in_dim3A_583 = vector.shape_cast %xor3A_582 : vector<16xi32> to vector<16x1xi32>
      %gather3A_584 = vector.shape_cast %broadcast_in_dim3A_583 : vector<16x1xi32> to vector<16xi32>
      %gather3A_585 = tpu.dynamic_gather %get3A_578[%gather3A_584] in [0] : vector<16xi32>, vector<16xi32> -> vector<16xi32>
      %add3A_586 = arith.addi %get3A_578, %gather3A_585 : vector<16xi32>
      %xor3A_587 = arith.constant 2 : i32
      %xor3A_588 = vector.broadcast %xor3A_587 : i32 to vector<16xi32>
      %xor3A_589 = arith.xori %iota3A_579, %xor3A_588 : vector<16xi32>
      %broadcast_in_dim3A_590 = vector.shape_cast %xor3A_589 : vector<16xi32> to vector<16x1xi32>
      %gather3A_591 = vector.shape_cast %broadcast_in_dim3A_590 : vector<16x1xi32> to vector<16xi32>
      %gather3A_592 = tpu.dynamic_gather %add3A_586[%gather3A_591] in [0] : vector<16xi32>, vector<16xi32> -> vector<16xi32>
      %add3A_593 = arith.addi %add3A_586, %gather3A_592 : vector<16xi32>
      %xor3A_594 = arith.constant 4 : i32
      %xor3A_595 = vector.broadcast %xor3A_594 : i32 to vector<16xi32>
      %xor3A_596 = arith.xori %iota3A_579, %xor3A_595 : vector<16xi32>
      %broadcast_in_dim3A_597 = vector.shape_cast %xor3A_596 : vector<16xi32> to vector<16x1xi32>
      %gather3A_598 = vector.shape_cast %broadcast_in_dim3A_597 : vector<16x1xi32> to vector<16xi32>
      %gather3A_599 = tpu.dynamic_gather %add3A_593[%gather3A_598] in [0] : vector<16xi32>, vector<16xi32> -> vector<16xi32>
      %add3A_600 = arith.addi %add3A_593, %gather3A_599 : vector<16xi32>
      %xor3A_601 = arith.constant 8 : i32
      %xor3A_602 = vector.broadcast %xor3A_601 : i32 to vector<16xi32>
      %xor3A_603 = arith.xori %iota3A_579, %xor3A_602 : vector<16xi32>
      %broadcast_in_dim3A_604 = vector.shape_cast %xor3A_603 : vector<16xi32> to vector<16x1xi32>
      %gather3A_605 = vector.shape_cast %broadcast_in_dim3A_604 : vector<16x1xi32> to vector<16xi32>
      %gather3A_606 = tpu.dynamic_gather %add3A_600[%gather3A_605] in [0] : vector<16xi32>, vector<16xi32> -> vector<16xi32>
      %add3A_607 = arith.addi %add3A_600, %gather3A_606 : vector<16xi32>
      %ge3A_608 = arith.constant 2048 : i32
      %ge3A_609 = vector.broadcast %ge3A_608 : i32 to vector<16xi32>
      %ge3A_610 = arith.cmpi sge, %add3A_607, %ge3A_609 : vector<16xi32>
      %select_n3A_611 = arith.select %ge3A_610, %or3A_564, %select_n3A_561 : vector<16xi1>, vector<16xi32>
      %or3A_612 = arith.constant 262144 : i32
      %or3A_613 = vector.broadcast %or3A_612 : i32 to vector<16xi32>
      %or3A_614 = arith.ori %select_n3A_611, %or3A_613 : vector<16xi32>
      %swap3A_615 = arith.constant 0 : index
      %swap3A_616 = tpu.vector_load %arg6[%swap3A_615] {strides = array<i32>} : memref<16xi32, #tpu.memory_space<vmem>>, vector<16xi32>,
      %swap3A_617 = vector.shape_cast %swap3A_616 : vector<16xi32> to vector<16xi32>
      %swap3A_618 = vector.shape_cast %broadcast_in_dim3A_19 : vector<16xi32> to vector<16xi32>
      tpu.vector_store %arg6[%swap3A_615], %swap3A_618 {strides = array<i32>} : memref<16xi32, #tpu.memory_space<vmem>>, vector<16xi32>,
      %scan3A_619 = arith.constant 0 : i32
      %scan3A_620 = arith.constant 0 : i32
      %scan3A_621 = arith.constant 256 : i32
      %scan3A_622 = arith.addi %scan3A_620, %scan3A_621 : i32
      %scan3A_623 = arith.constant 1 : i32
      %scan3A_624 = scf.for %scan3A_1120 = %scan3A_620 to %scan3A_622 step %scan3A_623 iter_args(%scan3A_1121 = %scan3A_619) -> (i32)  : i32 {
        %mul3A_1122 = arith.constant 16 : i32
        %mul3A_1123 = arith.muli %scan3A_1120, %mul3A_1122 : i32
        %get3A_1124 = arith.index_cast %mul3A_1123 : i32 to index
        %get3A_1125 = tpu.vector_load %arg5[%get3A_1124] {strides = array<i32>} : memref<4096xf32, #tpu.memory_space<vmem>>, vector<16xf32>,
        %get3A_1126 = vector.shape_cast %get3A_1125 : vector<16xf32> to vector<16xf32>
        %bitcast_convert_type3A = tpu.bitcast %get3A_1126 : vector<16xf32> -> vector<16xi32>
        %and3A = arith.constant 2147483647 : i32
        %and3A_1127 = vector.broadcast %and3A : i32 to vector<16xi32>
        %and3A_1128 = arith.andi %bitcast_convert_type3A, %and3A_1127 : vector<16xi32>
        %broadcast_in_dim3A_1129 = arith.constant 1 : i32
        %broadcast_in_dim3A_1130 = vector.broadcast %broadcast_in_dim3A_1129 : i32 to vector<16xi32>
        %get3A_1131 = arith.constant 0 : index
        %get3A_1132 = tpu.vector_load %arg6[%get3A_1131] {strides = array<i32>} : memref<16xi32, #tpu.memory_space<vmem>>, vector<16xi32>,
        %get3A_1133 = vector.shape_cast %get3A_1132 : vector<16xi32> to vector<16xi32>
        %ge3A_1134 = arith.cmpi sge, %and3A_1128, %or3A_614 : vector<16xi32>
        %select_n3A_1135 = arith.select %ge3A_1134, %broadcast_in_dim3A_1130, %broadcast_in_dim3A_19 : vector<16xi1>, vector<16xi32>
        %add3A_1136 = arith.addi %get3A_1133, %select_n3A_1135 : vector<16xi32>
        %swap3A_1137 = arith.constant 0 : index
        %swap3A_1138 = tpu.vector_load %arg6[%swap3A_1137] {strides = array<i32>} : memref<16xi32, #tpu.memory_space<vmem>>, vector<16xi32>,
        %swap3A_1139 = vector.shape_cast %swap3A_1138 : vector<16xi32> to vector<16xi32>
        %swap3A_1140 = vector.shape_cast %add3A_1136 : vector<16xi32> to vector<16xi32>
        tpu.vector_store %arg6[%swap3A_1137], %swap3A_1140 {strides = array<i32>} : memref<16xi32, #tpu.memory_space<vmem>>, vector<16xi32>,
        %scan3A_1141 = arith.constant 0 : i32
        scf.yield %scan3A_1141 : i32
      }
      %scan3A_625 = arith.constant 256 : i32
      %get3A_626 = arith.constant 0 : index
      %get3A_627 = tpu.vector_load %arg6[%get3A_626] {strides = array<i32>} : memref<16xi32, #tpu.memory_space<vmem>>, vector<16xi32>,
      %get3A_628 = vector.shape_cast %get3A_627 : vector<16xi32> to vector<16xi32>
      %iota3A_629 = tpu.iota {dimensions = array<i32: 0>} : vector<16xi32>
      %xor3A_630 = arith.constant 1 : i32
      %xor3A_631 = vector.broadcast %xor3A_630 : i32 to vector<16xi32>
      %xor3A_632 = arith.xori %iota3A_629, %xor3A_631 : vector<16xi32>
      %broadcast_in_dim3A_633 = vector.shape_cast %xor3A_632 : vector<16xi32> to vector<16x1xi32>
      %gather3A_634 = vector.shape_cast %broadcast_in_dim3A_633 : vector<16x1xi32> to vector<16xi32>
      %gather3A_635 = tpu.dynamic_gather %get3A_628[%gather3A_634] in [0] : vector<16xi32>, vector<16xi32> -> vector<16xi32>
      %add3A_636 = arith.addi %get3A_628, %gather3A_635 : vector<16xi32>
      %xor3A_637 = arith.constant 2 : i32
      %xor3A_638 = vector.broadcast %xor3A_637 : i32 to vector<16xi32>
      %xor3A_639 = arith.xori %iota3A_629, %xor3A_638 : vector<16xi32>
      %broadcast_in_dim3A_640 = vector.shape_cast %xor3A_639 : vector<16xi32> to vector<16x1xi32>
      %gather3A_641 = vector.shape_cast %broadcast_in_dim3A_640 : vector<16x1xi32> to vector<16xi32>
      %gather3A_642 = tpu.dynamic_gather %add3A_636[%gather3A_641] in [0] : vector<16xi32>, vector<16xi32> -> vector<16xi32>
      %add3A_643 = arith.addi %add3A_636, %gather3A_642 : vector<16xi32>
      %xor3A_644 = arith.constant 4 : i32
      %xor3A_645 = vector.broadcast %xor3A_644 : i32 to vector<16xi32>
      %xor3A_646 = arith.xori %iota3A_629, %xor3A_645 : vector<16xi32>
      %broadcast_in_dim3A_647 = vector.shape_cast %xor3A_646 : vector<16xi32> to vector<16x1xi32>
      %gather3A_648 = vector.shape_cast %broadcast_in_dim3A_647 : vector<16x1xi32> to vector<16xi32>
      %gather3A_649 = tpu.dynamic_gather %add3A_643[%gather3A_648] in [0] : vector<16xi32>, vector<16xi32> -> vector<16xi32>
      %add3A_650 = arith.addi %add3A_643, %gather3A_649 : vector<16xi32>
      %xor3A_651 = arith.constant 8 : i32
      %xor3A_652 = vector.broadcast %xor3A_651 : i32 to vector<16xi32>
      %xor3A_653 = arith.xori %iota3A_629, %xor3A_652 : vector<16xi32>
      %broadcast_in_dim3A_654 = vector.shape_cast %xor3A_653 : vector<16xi32> to vector<16x1xi32>
      %gather3A_655 = vector.shape_cast %broadcast_in_dim3A_654 : vector<16x1xi32> to vector<16xi32>
      %gather3A_656 = tpu.dynamic_gather %add3A_650[%gather3A_655] in [0] : vector<16xi32>, vector<16xi32> -> vector<16xi32>
      %add3A_657 = arith.addi %add3A_650, %gather3A_656 : vector<16xi32>
      %ge3A_658 = arith.constant 2048 : i32
      %ge3A_659 = vector.broadcast %ge3A_658 : i32 to vector<16xi32>
      %ge3A_660 = arith.cmpi sge, %add3A_657, %ge3A_659 : vector<16xi32>
      %select_n3A_661 = arith.select %ge3A_660, %or3A_614, %select_n3A_611 : vector<16xi1>, vector<16xi32>
      %or3A_662 = arith.constant 131072 : i32
      %or3A_663 = vector.broadcast %or3A_662 : i32 to vector<16xi32>
      %or3A_664 = arith.ori %select_n3A_661, %or3A_663 : vector<16xi32>
      %swap3A_665 = arith.constant 0 : index
      %swap3A_666 = tpu.vector_load %arg6[%swap3A_665] {strides = array<i32>} : memref<16xi32, #tpu.memory_space<vmem>>, vector<16xi32>,
      %swap3A_667 = vector.shape_cast %swap3A_666 : vector<16xi32> to vector<16xi32>
      %swap3A_668 = vector.shape_cast %broadcast_in_dim3A_19 : vector<16xi32> to vector<16xi32>
      tpu.vector_store %arg6[%swap3A_665], %swap3A_668 {strides = array<i32>} : memref<16xi32, #tpu.memory_space<vmem>>, vector<16xi32>,
      %scan3A_669 = arith.constant 0 : i32
      %scan3A_670 = arith.constant 0 : i32
      %scan3A_671 = arith.constant 256 : i32
      %scan3A_672 = arith.addi %scan3A_670, %scan3A_671 : i32
      %scan3A_673 = arith.constant 1 : i32
      %scan3A_674 = scf.for %scan3A_1120 = %scan3A_670 to %scan3A_672 step %scan3A_673 iter_args(%scan3A_1121 = %scan3A_669) -> (i32)  : i32 {
        %mul3A_1122 = arith.constant 16 : i32
        %mul3A_1123 = arith.muli %scan3A_1120, %mul3A_1122 : i32
        %get3A_1124 = arith.index_cast %mul3A_1123 : i32 to index
        %get3A_1125 = tpu.vector_load %arg5[%get3A_1124] {strides = array<i32>} : memref<4096xf32, #tpu.memory_space<vmem>>, vector<16xf32>,
        %get3A_1126 = vector.shape_cast %get3A_1125 : vector<16xf32> to vector<16xf32>
        %bitcast_convert_type3A = tpu.bitcast %get3A_1126 : vector<16xf32> -> vector<16xi32>
        %and3A = arith.constant 2147483647 : i32
        %and3A_1127 = vector.broadcast %and3A : i32 to vector<16xi32>
        %and3A_1128 = arith.andi %bitcast_convert_type3A, %and3A_1127 : vector<16xi32>
        %broadcast_in_dim3A_1129 = arith.constant 1 : i32
        %broadcast_in_dim3A_1130 = vector.broadcast %broadcast_in_dim3A_1129 : i32 to vector<16xi32>
        %get3A_1131 = arith.constant 0 : index
        %get3A_1132 = tpu.vector_load %arg6[%get3A_1131] {strides = array<i32>} : memref<16xi32, #tpu.memory_space<vmem>>, vector<16xi32>,
        %get3A_1133 = vector.shape_cast %get3A_1132 : vector<16xi32> to vector<16xi32>
        %ge3A_1134 = arith.cmpi sge, %and3A_1128, %or3A_664 : vector<16xi32>
        %select_n3A_1135 = arith.select %ge3A_1134, %broadcast_in_dim3A_1130, %broadcast_in_dim3A_19 : vector<16xi1>, vector<16xi32>
        %add3A_1136 = arith.addi %get3A_1133, %select_n3A_1135 : vector<16xi32>
        %swap3A_1137 = arith.constant 0 : index
        %swap3A_1138 = tpu.vector_load %arg6[%swap3A_1137] {strides = array<i32>} : memref<16xi32, #tpu.memory_space<vmem>>, vector<16xi32>,
        %swap3A_1139 = vector.shape_cast %swap3A_1138 : vector<16xi32> to vector<16xi32>
        %swap3A_1140 = vector.shape_cast %add3A_1136 : vector<16xi32> to vector<16xi32>
        tpu.vector_store %arg6[%swap3A_1137], %swap3A_1140 {strides = array<i32>} : memref<16xi32, #tpu.memory_space<vmem>>, vector<16xi32>,
        %scan3A_1141 = arith.constant 0 : i32
        scf.yield %scan3A_1141 : i32
      }
      %scan3A_675 = arith.constant 256 : i32
      %get3A_676 = arith.constant 0 : index
      %get3A_677 = tpu.vector_load %arg6[%get3A_676] {strides = array<i32>} : memref<16xi32, #tpu.memory_space<vmem>>, vector<16xi32>,
      %get3A_678 = vector.shape_cast %get3A_677 : vector<16xi32> to vector<16xi32>
      %iota3A_679 = tpu.iota {dimensions = array<i32: 0>} : vector<16xi32>
      %xor3A_680 = arith.constant 1 : i32
      %xor3A_681 = vector.broadcast %xor3A_680 : i32 to vector<16xi32>
      %xor3A_682 = arith.xori %iota3A_679, %xor3A_681 : vector<16xi32>
      %broadcast_in_dim3A_683 = vector.shape_cast %xor3A_682 : vector<16xi32> to vector<16x1xi32>
      %gather3A_684 = vector.shape_cast %broadcast_in_dim3A_683 : vector<16x1xi32> to vector<16xi32>
      %gather3A_685 = tpu.dynamic_gather %get3A_678[%gather3A_684] in [0] : vector<16xi32>, vector<16xi32> -> vector<16xi32>
      %add3A_686 = arith.addi %get3A_678, %gather3A_685 : vector<16xi32>
      %xor3A_687 = arith.constant 2 : i32
      %xor3A_688 = vector.broadcast %xor3A_687 : i32 to vector<16xi32>
      %xor3A_689 = arith.xori %iota3A_679, %xor3A_688 : vector<16xi32>
      %broadcast_in_dim3A_690 = vector.shape_cast %xor3A_689 : vector<16xi32> to vector<16x1xi32>
      %gather3A_691 = vector.shape_cast %broadcast_in_dim3A_690 : vector<16x1xi32> to vector<16xi32>
      %gather3A_692 = tpu.dynamic_gather %add3A_686[%gather3A_691] in [0] : vector<16xi32>, vector<16xi32> -> vector<16xi32>
      %add3A_693 = arith.addi %add3A_686, %gather3A_692 : vector<16xi32>
      %xor3A_694 = arith.constant 4 : i32
      %xor3A_695 = vector.broadcast %xor3A_694 : i32 to vector<16xi32>
      %xor3A_696 = arith.xori %iota3A_679, %xor3A_695 : vector<16xi32>
      %broadcast_in_dim3A_697 = vector.shape_cast %xor3A_696 : vector<16xi32> to vector<16x1xi32>
      %gather3A_698 = vector.shape_cast %broadcast_in_dim3A_697 : vector<16x1xi32> to vector<16xi32>
      %gather3A_699 = tpu.dynamic_gather %add3A_693[%gather3A_698] in [0] : vector<16xi32>, vector<16xi32> -> vector<16xi32>
      %add3A_700 = arith.addi %add3A_693, %gather3A_699 : vector<16xi32>
      %xor3A_701 = arith.constant 8 : i32
      %xor3A_702 = vector.broadcast %xor3A_701 : i32 to vector<16xi32>
      %xor3A_703 = arith.xori %iota3A_679, %xor3A_702 : vector<16xi32>
      %broadcast_in_dim3A_704 = vector.shape_cast %xor3A_703 : vector<16xi32> to vector<16x1xi32>
      %gather3A_705 = vector.shape_cast %broadcast_in_dim3A_704 : vector<16x1xi32> to vector<16xi32>
      %gather3A_706 = tpu.dynamic_gather %add3A_700[%gather3A_705] in [0] : vector<16xi32>, vector<16xi32> -> vector<16xi32>
      %add3A_707 = arith.addi %add3A_700, %gather3A_706 : vector<16xi32>
      %ge3A_708 = arith.constant 2048 : i32
      %ge3A_709 = vector.broadcast %ge3A_708 : i32 to vector<16xi32>
      %ge3A_710 = arith.cmpi sge, %add3A_707, %ge3A_709 : vector<16xi32>
      %select_n3A_711 = arith.select %ge3A_710, %or3A_664, %select_n3A_661 : vector<16xi1>, vector<16xi32>
      %or3A_712 = arith.constant 65536 : i32
      %or3A_713 = vector.broadcast %or3A_712 : i32 to vector<16xi32>
      %or3A_714 = arith.ori %select_n3A_711, %or3A_713 : vector<16xi32>
      %swap3A_715 = arith.constant 0 : index
      %swap3A_716 = tpu.vector_load %arg6[%swap3A_715] {strides = array<i32>} : memref<16xi32, #tpu.memory_space<vmem>>, vector<16xi32>,
      %swap3A_717 = vector.shape_cast %swap3A_716 : vector<16xi32> to vector<16xi32>
      %swap3A_718 = vector.shape_cast %broadcast_in_dim3A_19 : vector<16xi32> to vector<16xi32>
      tpu.vector_store %arg6[%swap3A_715], %swap3A_718 {strides = array<i32>} : memref<16xi32, #tpu.memory_space<vmem>>, vector<16xi32>,
      %scan3A_719 = arith.constant 0 : i32
      %scan3A_720 = arith.constant 0 : i32
      %scan3A_721 = arith.constant 256 : i32
      %scan3A_722 = arith.addi %scan3A_720, %scan3A_721 : i32
      %scan3A_723 = arith.constant 1 : i32
      %scan3A_724 = scf.for %scan3A_1120 = %scan3A_720 to %scan3A_722 step %scan3A_723 iter_args(%scan3A_1121 = %scan3A_719) -> (i32)  : i32 {
        %mul3A_1122 = arith.constant 16 : i32
        %mul3A_1123 = arith.muli %scan3A_1120, %mul3A_1122 : i32
        %get3A_1124 = arith.index_cast %mul3A_1123 : i32 to index
        %get3A_1125 = tpu.vector_load %arg5[%get3A_1124] {strides = array<i32>} : memref<4096xf32, #tpu.memory_space<vmem>>, vector<16xf32>,
        %get3A_1126 = vector.shape_cast %get3A_1125 : vector<16xf32> to vector<16xf32>
        %bitcast_convert_type3A = tpu.bitcast %get3A_1126 : vector<16xf32> -> vector<16xi32>
        %and3A = arith.constant 2147483647 : i32
        %and3A_1127 = vector.broadcast %and3A : i32 to vector<16xi32>
        %and3A_1128 = arith.andi %bitcast_convert_type3A, %and3A_1127 : vector<16xi32>
        %broadcast_in_dim3A_1129 = arith.constant 1 : i32
        %broadcast_in_dim3A_1130 = vector.broadcast %broadcast_in_dim3A_1129 : i32 to vector<16xi32>
        %get3A_1131 = arith.constant 0 : index
        %get3A_1132 = tpu.vector_load %arg6[%get3A_1131] {strides = array<i32>} : memref<16xi32, #tpu.memory_space<vmem>>, vector<16xi32>,
        %get3A_1133 = vector.shape_cast %get3A_1132 : vector<16xi32> to vector<16xi32>
        %ge3A_1134 = arith.cmpi sge, %and3A_1128, %or3A_714 : vector<16xi32>
        %select_n3A_1135 = arith.select %ge3A_1134, %broadcast_in_dim3A_1130, %broadcast_in_dim3A_19 : vector<16xi1>, vector<16xi32>
        %add3A_1136 = arith.addi %get3A_1133, %select_n3A_1135 : vector<16xi32>
        %swap3A_1137 = arith.constant 0 : index
        %swap3A_1138 = tpu.vector_load %arg6[%swap3A_1137] {strides = array<i32>} : memref<16xi32, #tpu.memory_space<vmem>>, vector<16xi32>,
        %swap3A_1139 = vector.shape_cast %swap3A_1138 : vector<16xi32> to vector<16xi32>
        %swap3A_1140 = vector.shape_cast %add3A_1136 : vector<16xi32> to vector<16xi32>
        tpu.vector_store %arg6[%swap3A_1137], %swap3A_1140 {strides = array<i32>} : memref<16xi32, #tpu.memory_space<vmem>>, vector<16xi32>,
        %scan3A_1141 = arith.constant 0 : i32
        scf.yield %scan3A_1141 : i32
      }
      %scan3A_725 = arith.constant 256 : i32
      %get3A_726 = arith.constant 0 : index
      %get3A_727 = tpu.vector_load %arg6[%get3A_726] {strides = array<i32>} : memref<16xi32, #tpu.memory_space<vmem>>, vector<16xi32>,
      %get3A_728 = vector.shape_cast %get3A_727 : vector<16xi32> to vector<16xi32>
      %iota3A_729 = tpu.iota {dimensions = array<i32: 0>} : vector<16xi32>
      %xor3A_730 = arith.constant 1 : i32
      %xor3A_731 = vector.broadcast %xor3A_730 : i32 to vector<16xi32>
      %xor3A_732 = arith.xori %iota3A_729, %xor3A_731 : vector<16xi32>
      %broadcast_in_dim3A_733 = vector.shape_cast %xor3A_732 : vector<16xi32> to vector<16x1xi32>
      %gather3A_734 = vector.shape_cast %broadcast_in_dim3A_733 : vector<16x1xi32> to vector<16xi32>
      %gather3A_735 = tpu.dynamic_gather %get3A_728[%gather3A_734] in [0] : vector<16xi32>, vector<16xi32> -> vector<16xi32>
      %add3A_736 = arith.addi %get3A_728, %gather3A_735 : vector<16xi32>
      %xor3A_737 = arith.constant 2 : i32
      %xor3A_738 = vector.broadcast %xor3A_737 : i32 to vector<16xi32>
      %xor3A_739 = arith.xori %iota3A_729, %xor3A_738 : vector<16xi32>
      %broadcast_in_dim3A_740 = vector.shape_cast %xor3A_739 : vector<16xi32> to vector<16x1xi32>
      %gather3A_741 = vector.shape_cast %broadcast_in_dim3A_740 : vector<16x1xi32> to vector<16xi32>
      %gather3A_742 = tpu.dynamic_gather %add3A_736[%gather3A_741] in [0] : vector<16xi32>, vector<16xi32> -> vector<16xi32>
      %add3A_743 = arith.addi %add3A_736, %gather3A_742 : vector<16xi32>
      %xor3A_744 = arith.constant 4 : i32
      %xor3A_745 = vector.broadcast %xor3A_744 : i32 to vector<16xi32>
      %xor3A_746 = arith.xori %iota3A_729, %xor3A_745 : vector<16xi32>
      %broadcast_in_dim3A_747 = vector.shape_cast %xor3A_746 : vector<16xi32> to vector<16x1xi32>
      %gather3A_748 = vector.shape_cast %broadcast_in_dim3A_747 : vector<16x1xi32> to vector<16xi32>
      %gather3A_749 = tpu.dynamic_gather %add3A_743[%gather3A_748] in [0] : vector<16xi32>, vector<16xi32> -> vector<16xi32>
      %add3A_750 = arith.addi %add3A_743, %gather3A_749 : vector<16xi32>
      %xor3A_751 = arith.constant 8 : i32
      %xor3A_752 = vector.broadcast %xor3A_751 : i32 to vector<16xi32>
      %xor3A_753 = arith.xori %iota3A_729, %xor3A_752 : vector<16xi32>
      %broadcast_in_dim3A_754 = vector.shape_cast %xor3A_753 : vector<16xi32> to vector<16x1xi32>
      %gather3A_755 = vector.shape_cast %broadcast_in_dim3A_754 : vector<16x1xi32> to vector<16xi32>
      %gather3A_756 = tpu.dynamic_gather %add3A_750[%gather3A_755] in [0] : vector<16xi32>, vector<16xi32> -> vector<16xi32>
      %add3A_757 = arith.addi %add3A_750, %gather3A_756 : vector<16xi32>
      %ge3A_758 = arith.constant 2048 : i32
      %ge3A_759 = vector.broadcast %ge3A_758 : i32 to vector<16xi32>
      %ge3A_760 = arith.cmpi sge, %add3A_757, %ge3A_759 : vector<16xi32>
      %select_n3A_761 = arith.select %ge3A_760, %or3A_714, %select_n3A_711 : vector<16xi1>, vector<16xi32>
      %or3A_762 = arith.constant 32768 : i32
      %or3A_763 = vector.broadcast %or3A_762 : i32 to vector<16xi32>
      %or3A_764 = arith.ori %select_n3A_761, %or3A_763 : vector<16xi32>
      %swap3A_765 = arith.constant 0 : index
      %swap3A_766 = tpu.vector_load %arg6[%swap3A_765] {strides = array<i32>} : memref<16xi32, #tpu.memory_space<vmem>>, vector<16xi32>,
      %swap3A_767 = vector.shape_cast %swap3A_766 : vector<16xi32> to vector<16xi32>
      %swap3A_768 = vector.shape_cast %broadcast_in_dim3A_19 : vector<16xi32> to vector<16xi32>
      tpu.vector_store %arg6[%swap3A_765], %swap3A_768 {strides = array<i32>} : memref<16xi32, #tpu.memory_space<vmem>>, vector<16xi32>,
      %scan3A_769 = arith.constant 0 : i32
      %scan3A_770 = arith.constant 0 : i32
      %scan3A_771 = arith.constant 256 : i32
      %scan3A_772 = arith.addi %scan3A_770, %scan3A_771 : i32
      %scan3A_773 = arith.constant 1 : i32
      %scan3A_774 = scf.for %scan3A_1120 = %scan3A_770 to %scan3A_772 step %scan3A_773 iter_args(%scan3A_1121 = %scan3A_769) -> (i32)  : i32 {
        %mul3A_1122 = arith.constant 16 : i32
        %mul3A_1123 = arith.muli %scan3A_1120, %mul3A_1122 : i32
        %get3A_1124 = arith.index_cast %mul3A_1123 : i32 to index
        %get3A_1125 = tpu.vector_load %arg5[%get3A_1124] {strides = array<i32>} : memref<4096xf32, #tpu.memory_space<vmem>>, vector<16xf32>,
        %get3A_1126 = vector.shape_cast %get3A_1125 : vector<16xf32> to vector<16xf32>
        %bitcast_convert_type3A = tpu.bitcast %get3A_1126 : vector<16xf32> -> vector<16xi32>
        %and3A = arith.constant 2147483647 : i32
        %and3A_1127 = vector.broadcast %and3A : i32 to vector<16xi32>
        %and3A_1128 = arith.andi %bitcast_convert_type3A, %and3A_1127 : vector<16xi32>
        %broadcast_in_dim3A_1129 = arith.constant 1 : i32
        %broadcast_in_dim3A_1130 = vector.broadcast %broadcast_in_dim3A_1129 : i32 to vector<16xi32>
        %get3A_1131 = arith.constant 0 : index
        %get3A_1132 = tpu.vector_load %arg6[%get3A_1131] {strides = array<i32>} : memref<16xi32, #tpu.memory_space<vmem>>, vector<16xi32>,
        %get3A_1133 = vector.shape_cast %get3A_1132 : vector<16xi32> to vector<16xi32>
        %ge3A_1134 = arith.cmpi sge, %and3A_1128, %or3A_764 : vector<16xi32>
        %select_n3A_1135 = arith.select %ge3A_1134, %broadcast_in_dim3A_1130, %broadcast_in_dim3A_19 : vector<16xi1>, vector<16xi32>
        %add3A_1136 = arith.addi %get3A_1133, %select_n3A_1135 : vector<16xi32>
        %swap3A_1137 = arith.constant 0 : index
        %swap3A_1138 = tpu.vector_load %arg6[%swap3A_1137] {strides = array<i32>} : memref<16xi32, #tpu.memory_space<vmem>>, vector<16xi32>,
        %swap3A_1139 = vector.shape_cast %swap3A_1138 : vector<16xi32> to vector<16xi32>
        %swap3A_1140 = vector.shape_cast %add3A_1136 : vector<16xi32> to vector<16xi32>
        tpu.vector_store %arg6[%swap3A_1137], %swap3A_1140 {strides = array<i32>} : memref<16xi32, #tpu.memory_space<vmem>>, vector<16xi32>,
        %scan3A_1141 = arith.constant 0 : i32
        scf.yield %scan3A_1141 : i32
      }
      %scan3A_775 = arith.constant 256 : i32
      %get3A_776 = arith.constant 0 : index
      %get3A_777 = tpu.vector_load %arg6[%get3A_776] {strides = array<i32>} : memref<16xi32, #tpu.memory_space<vmem>>, vector<16xi32>,
      %get3A_778 = vector.shape_cast %get3A_777 : vector<16xi32> to vector<16xi32>
      %iota3A_779 = tpu.iota {dimensions = array<i32: 0>} : vector<16xi32>
      %xor3A_780 = arith.constant 1 : i32
      %xor3A_781 = vector.broadcast %xor3A_780 : i32 to vector<16xi32>
      %xor3A_782 = arith.xori %iota3A_779, %xor3A_781 : vector<16xi32>
      %broadcast_in_dim3A_783 = vector.shape_cast %xor3A_782 : vector<16xi32> to vector<16x1xi32>
      %gather3A_784 = vector.shape_cast %broadcast_in_dim3A_783 : vector<16x1xi32> to vector<16xi32>
      %gather3A_785 = tpu.dynamic_gather %get3A_778[%gather3A_784] in [0] : vector<16xi32>, vector<16xi32> -> vector<16xi32>
      %add3A_786 = arith.addi %get3A_778, %gather3A_785 : vector<16xi32>
      %xor3A_787 = arith.constant 2 : i32
      %xor3A_788 = vector.broadcast %xor3A_787 : i32 to vector<16xi32>
      %xor3A_789 = arith.xori %iota3A_779, %xor3A_788 : vector<16xi32>
      %broadcast_in_dim3A_790 = vector.shape_cast %xor3A_789 : vector<16xi32> to vector<16x1xi32>
      %gather3A_791 = vector.shape_cast %broadcast_in_dim3A_790 : vector<16x1xi32> to vector<16xi32>
      %gather3A_792 = tpu.dynamic_gather %add3A_786[%gather3A_791] in [0] : vector<16xi32>, vector<16xi32> -> vector<16xi32>
      %add3A_793 = arith.addi %add3A_786, %gather3A_792 : vector<16xi32>
      %xor3A_794 = arith.constant 4 : i32
      %xor3A_795 = vector.broadcast %xor3A_794 : i32 to vector<16xi32>
      %xor3A_796 = arith.xori %iota3A_779, %xor3A_795 : vector<16xi32>
      %broadcast_in_dim3A_797 = vector.shape_cast %xor3A_796 : vector<16xi32> to vector<16x1xi32>
      %gather3A_798 = vector.shape_cast %broadcast_in_dim3A_797 : vector<16x1xi32> to vector<16xi32>
      %gather3A_799 = tpu.dynamic_gather %add3A_793[%gather3A_798] in [0] : vector<16xi32>, vector<16xi32> -> vector<16xi32>
      %add3A_800 = arith.addi %add3A_793, %gather3A_799 : vector<16xi32>
      %xor3A_801 = arith.constant 8 : i32
      %xor3A_802 = vector.broadcast %xor3A_801 : i32 to vector<16xi32>
      %xor3A_803 = arith.xori %iota3A_779, %xor3A_802 : vector<16xi32>
      %broadcast_in_dim3A_804 = vector.shape_cast %xor3A_803 : vector<16xi32> to vector<16x1xi32>
      %gather3A_805 = vector.shape_cast %broadcast_in_dim3A_804 : vector<16x1xi32> to vector<16xi32>
      %gather3A_806 = tpu.dynamic_gather %add3A_800[%gather3A_805] in [0] : vector<16xi32>, vector<16xi32> -> vector<16xi32>
      %add3A_807 = arith.addi %add3A_800, %gather3A_806 : vector<16xi32>
      %ge3A_808 = arith.constant 2048 : i32
      %ge3A_809 = vector.broadcast %ge3A_808 : i32 to vector<16xi32>
      %ge3A_810 = arith.cmpi sge, %add3A_807, %ge3A_809 : vector<16xi32>
      %select_n3A_811 = arith.select %ge3A_810, %or3A_764, %select_n3A_761 : vector<16xi1>, vector<16xi32>
      %or3A_812 = arith.constant 16384 : i32
      %or3A_813 = vector.broadcast %or3A_812 : i32 to vector<16xi32>
      %or3A_814 = arith.ori %select_n3A_811, %or3A_813 : vector<16xi32>
      %swap3A_815 = arith.constant 0 : index
      %swap3A_816 = tpu.vector_load %arg6[%swap3A_815] {strides = array<i32>} : memref<16xi32, #tpu.memory_space<vmem>>, vector<16xi32>,
      %swap3A_817 = vector.shape_cast %swap3A_816 : vector<16xi32> to vector<16xi32>
      %swap3A_818 = vector.shape_cast %broadcast_in_dim3A_19 : vector<16xi32> to vector<16xi32>
      tpu.vector_store %arg6[%swap3A_815], %swap3A_818 {strides = array<i32>} : memref<16xi32, #tpu.memory_space<vmem>>, vector<16xi32>,
      %scan3A_819 = arith.constant 0 : i32
      %scan3A_820 = arith.constant 0 : i32
      %scan3A_821 = arith.constant 256 : i32
      %scan3A_822 = arith.addi %scan3A_820, %scan3A_821 : i32
      %scan3A_823 = arith.constant 1 : i32
      %scan3A_824 = scf.for %scan3A_1120 = %scan3A_820 to %scan3A_822 step %scan3A_823 iter_args(%scan3A_1121 = %scan3A_819) -> (i32)  : i32 {
        %mul3A_1122 = arith.constant 16 : i32
        %mul3A_1123 = arith.muli %scan3A_1120, %mul3A_1122 : i32
        %get3A_1124 = arith.index_cast %mul3A_1123 : i32 to index
        %get3A_1125 = tpu.vector_load %arg5[%get3A_1124] {strides = array<i32>} : memref<4096xf32, #tpu.memory_space<vmem>>, vector<16xf32>,
        %get3A_1126 = vector.shape_cast %get3A_1125 : vector<16xf32> to vector<16xf32>
        %bitcast_convert_type3A = tpu.bitcast %get3A_1126 : vector<16xf32> -> vector<16xi32>
        %and3A = arith.constant 2147483647 : i32
        %and3A_1127 = vector.broadcast %and3A : i32 to vector<16xi32>
        %and3A_1128 = arith.andi %bitcast_convert_type3A, %and3A_1127 : vector<16xi32>
        %broadcast_in_dim3A_1129 = arith.constant 1 : i32
        %broadcast_in_dim3A_1130 = vector.broadcast %broadcast_in_dim3A_1129 : i32 to vector<16xi32>
        %get3A_1131 = arith.constant 0 : index
        %get3A_1132 = tpu.vector_load %arg6[%get3A_1131] {strides = array<i32>} : memref<16xi32, #tpu.memory_space<vmem>>, vector<16xi32>,
        %get3A_1133 = vector.shape_cast %get3A_1132 : vector<16xi32> to vector<16xi32>
        %ge3A_1134 = arith.cmpi sge, %and3A_1128, %or3A_814 : vector<16xi32>
        %select_n3A_1135 = arith.select %ge3A_1134, %broadcast_in_dim3A_1130, %broadcast_in_dim3A_19 : vector<16xi1>, vector<16xi32>
        %add3A_1136 = arith.addi %get3A_1133, %select_n3A_1135 : vector<16xi32>
        %swap3A_1137 = arith.constant 0 : index
        %swap3A_1138 = tpu.vector_load %arg6[%swap3A_1137] {strides = array<i32>} : memref<16xi32, #tpu.memory_space<vmem>>, vector<16xi32>,
        %swap3A_1139 = vector.shape_cast %swap3A_1138 : vector<16xi32> to vector<16xi32>
        %swap3A_1140 = vector.shape_cast %add3A_1136 : vector<16xi32> to vector<16xi32>
        tpu.vector_store %arg6[%swap3A_1137], %swap3A_1140 {strides = array<i32>} : memref<16xi32, #tpu.memory_space<vmem>>, vector<16xi32>,
        %scan3A_1141 = arith.constant 0 : i32
        scf.yield %scan3A_1141 : i32
      }
      %scan3A_825 = arith.constant 256 : i32
      %get3A_826 = arith.constant 0 : index
      %get3A_827 = tpu.vector_load %arg6[%get3A_826] {strides = array<i32>} : memref<16xi32, #tpu.memory_space<vmem>>, vector<16xi32>,
      %get3A_828 = vector.shape_cast %get3A_827 : vector<16xi32> to vector<16xi32>
      %iota3A_829 = tpu.iota {dimensions = array<i32: 0>} : vector<16xi32>
      %xor3A_830 = arith.constant 1 : i32
      %xor3A_831 = vector.broadcast %xor3A_830 : i32 to vector<16xi32>
      %xor3A_832 = arith.xori %iota3A_829, %xor3A_831 : vector<16xi32>
      %broadcast_in_dim3A_833 = vector.shape_cast %xor3A_832 : vector<16xi32> to vector<16x1xi32>
      %gather3A_834 = vector.shape_cast %broadcast_in_dim3A_833 : vector<16x1xi32> to vector<16xi32>
      %gather3A_835 = tpu.dynamic_gather %get3A_828[%gather3A_834] in [0] : vector<16xi32>, vector<16xi32> -> vector<16xi32>
      %add3A_836 = arith.addi %get3A_828, %gather3A_835 : vector<16xi32>
      %xor3A_837 = arith.constant 2 : i32
      %xor3A_838 = vector.broadcast %xor3A_837 : i32 to vector<16xi32>
      %xor3A_839 = arith.xori %iota3A_829, %xor3A_838 : vector<16xi32>
      %broadcast_in_dim3A_840 = vector.shape_cast %xor3A_839 : vector<16xi32> to vector<16x1xi32>
      %gather3A_841 = vector.shape_cast %broadcast_in_dim3A_840 : vector<16x1xi32> to vector<16xi32>
      %gather3A_842 = tpu.dynamic_gather %add3A_836[%gather3A_841] in [0] : vector<16xi32>, vector<16xi32> -> vector<16xi32>
      %add3A_843 = arith.addi %add3A_836, %gather3A_842 : vector<16xi32>
      %xor3A_844 = arith.constant 4 : i32
      %xor3A_845 = vector.broadcast %xor3A_844 : i32 to vector<16xi32>
      %xor3A_846 = arith.xori %iota3A_829, %xor3A_845 : vector<16xi32>
      %broadcast_in_dim3A_847 = vector.shape_cast %xor3A_846 : vector<16xi32> to vector<16x1xi32>
      %gather3A_848 = vector.shape_cast %broadcast_in_dim3A_847 : vector<16x1xi32> to vector<16xi32>
      %gather3A_849 = tpu.dynamic_gather %add3A_843[%gather3A_848] in [0] : vector<16xi32>, vector<16xi32> -> vector<16xi32>
      %add3A_850 = arith.addi %add3A_843, %gather3A_849 : vector<16xi32>
      %xor3A_851 = arith.constant 8 : i32
      %xor3A_852 = vector.broadcast %xor3A_851 : i32 to vector<16xi32>
      %xor3A_853 = arith.xori %iota3A_829, %xor3A_852 : vector<16xi32>
      %broadcast_in_dim3A_854 = vector.shape_cast %xor3A_853 : vector<16xi32> to vector<16x1xi32>
      %gather3A_855 = vector.shape_cast %broadcast_in_dim3A_854 : vector<16x1xi32> to vector<16xi32>
      %gather3A_856 = tpu.dynamic_gather %add3A_850[%gather3A_855] in [0] : vector<16xi32>, vector<16xi32> -> vector<16xi32>
      %add3A_857 = arith.addi %add3A_850, %gather3A_856 : vector<16xi32>
      %ge3A_858 = arith.constant 2048 : i32
      %ge3A_859 = vector.broadcast %ge3A_858 : i32 to vector<16xi32>
      %ge3A_860 = arith.cmpi sge, %add3A_857, %ge3A_859 : vector<16xi32>
      %select_n3A_861 = arith.select %ge3A_860, %or3A_814, %select_n3A_811 : vector<16xi1>, vector<16xi32>
      %or3A_862 = arith.constant 8192 : i32
      %or3A_863 = vector.broadcast %or3A_862 : i32 to vector<16xi32>
      %or3A_864 = arith.ori %select_n3A_861, %or3A_863 : vector<16xi32>
      %swap3A_865 = arith.constant 0 : index
      %swap3A_866 = tpu.vector_load %arg6[%swap3A_865] {strides = array<i32>} : memref<16xi32, #tpu.memory_space<vmem>>, vector<16xi32>,
      %swap3A_867 = vector.shape_cast %swap3A_866 : vector<16xi32> to vector<16xi32>
      %swap3A_868 = vector.shape_cast %broadcast_in_dim3A_19 : vector<16xi32> to vector<16xi32>
      tpu.vector_store %arg6[%swap3A_865], %swap3A_868 {strides = array<i32>} : memref<16xi32, #tpu.memory_space<vmem>>, vector<16xi32>,
      %scan3A_869 = arith.constant 0 : i32
      %scan3A_870 = arith.constant 0 : i32
      %scan3A_871 = arith.constant 256 : i32
      %scan3A_872 = arith.addi %scan3A_870, %scan3A_871 : i32
      %scan3A_873 = arith.constant 1 : i32
      %scan3A_874 = scf.for %scan3A_1120 = %scan3A_870 to %scan3A_872 step %scan3A_873 iter_args(%scan3A_1121 = %scan3A_869) -> (i32)  : i32 {
        %mul3A_1122 = arith.constant 16 : i32
        %mul3A_1123 = arith.muli %scan3A_1120, %mul3A_1122 : i32
        %get3A_1124 = arith.index_cast %mul3A_1123 : i32 to index
        %get3A_1125 = tpu.vector_load %arg5[%get3A_1124] {strides = array<i32>} : memref<4096xf32, #tpu.memory_space<vmem>>, vector<16xf32>,
        %get3A_1126 = vector.shape_cast %get3A_1125 : vector<16xf32> to vector<16xf32>
        %bitcast_convert_type3A = tpu.bitcast %get3A_1126 : vector<16xf32> -> vector<16xi32>
        %and3A = arith.constant 2147483647 : i32
        %and3A_1127 = vector.broadcast %and3A : i32 to vector<16xi32>
        %and3A_1128 = arith.andi %bitcast_convert_type3A, %and3A_1127 : vector<16xi32>
        %broadcast_in_dim3A_1129 = arith.constant 1 : i32
        %broadcast_in_dim3A_1130 = vector.broadcast %broadcast_in_dim3A_1129 : i32 to vector<16xi32>
        %get3A_1131 = arith.constant 0 : index
        %get3A_1132 = tpu.vector_load %arg6[%get3A_1131] {strides = array<i32>} : memref<16xi32, #tpu.memory_space<vmem>>, vector<16xi32>,
        %get3A_1133 = vector.shape_cast %get3A_1132 : vector<16xi32> to vector<16xi32>
        %ge3A_1134 = arith.cmpi sge, %and3A_1128, %or3A_864 : vector<16xi32>
        %select_n3A_1135 = arith.select %ge3A_1134, %broadcast_in_dim3A_1130, %broadcast_in_dim3A_19 : vector<16xi1>, vector<16xi32>
        %add3A_1136 = arith.addi %get3A_1133, %select_n3A_1135 : vector<16xi32>
        %swap3A_1137 = arith.constant 0 : index
        %swap3A_1138 = tpu.vector_load %arg6[%swap3A_1137] {strides = array<i32>} : memref<16xi32, #tpu.memory_space<vmem>>, vector<16xi32>,
        %swap3A_1139 = vector.shape_cast %swap3A_1138 : vector<16xi32> to vector<16xi32>
        %swap3A_1140 = vector.shape_cast %add3A_1136 : vector<16xi32> to vector<16xi32>
        tpu.vector_store %arg6[%swap3A_1137], %swap3A_1140 {strides = array<i32>} : memref<16xi32, #tpu.memory_space<vmem>>, vector<16xi32>,
        %scan3A_1141 = arith.constant 0 : i32
        scf.yield %scan3A_1141 : i32
      }
      %scan3A_875 = arith.constant 256 : i32
      %get3A_876 = arith.constant 0 : index
      %get3A_877 = tpu.vector_load %arg6[%get3A_876] {strides = array<i32>} : memref<16xi32, #tpu.memory_space<vmem>>, vector<16xi32>,
      %get3A_878 = vector.shape_cast %get3A_877 : vector<16xi32> to vector<16xi32>
      %iota3A_879 = tpu.iota {dimensions = array<i32: 0>} : vector<16xi32>
      %xor3A_880 = arith.constant 1 : i32
      %xor3A_881 = vector.broadcast %xor3A_880 : i32 to vector<16xi32>
      %xor3A_882 = arith.xori %iota3A_879, %xor3A_881 : vector<16xi32>
      %broadcast_in_dim3A_883 = vector.shape_cast %xor3A_882 : vector<16xi32> to vector<16x1xi32>
      %gather3A_884 = vector.shape_cast %broadcast_in_dim3A_883 : vector<16x1xi32> to vector<16xi32>
      %gather3A_885 = tpu.dynamic_gather %get3A_878[%gather3A_884] in [0] : vector<16xi32>, vector<16xi32> -> vector<16xi32>
      %add3A_886 = arith.addi %get3A_878, %gather3A_885 : vector<16xi32>
      %xor3A_887 = arith.constant 2 : i32
      %xor3A_888 = vector.broadcast %xor3A_887 : i32 to vector<16xi32>
      %xor3A_889 = arith.xori %iota3A_879, %xor3A_888 : vector<16xi32>
      %broadcast_in_dim3A_890 = vector.shape_cast %xor3A_889 : vector<16xi32> to vector<16x1xi32>
      %gather3A_891 = vector.shape_cast %broadcast_in_dim3A_890 : vector<16x1xi32> to vector<16xi32>
      %gather3A_892 = tpu.dynamic_gather %add3A_886[%gather3A_891] in [0] : vector<16xi32>, vector<16xi32> -> vector<16xi32>
      %add3A_893 = arith.addi %add3A_886, %gather3A_892 : vector<16xi32>
      %xor3A_894 = arith.constant 4 : i32
      %xor3A_895 = vector.broadcast %xor3A_894 : i32 to vector<16xi32>
      %xor3A_896 = arith.xori %iota3A_879, %xor3A_895 : vector<16xi32>
      %broadcast_in_dim3A_897 = vector.shape_cast %xor3A_896 : vector<16xi32> to vector<16x1xi32>
      %gather3A_898 = vector.shape_cast %broadcast_in_dim3A_897 : vector<16x1xi32> to vector<16xi32>
      %gather3A_899 = tpu.dynamic_gather %add3A_893[%gather3A_898] in [0] : vector<16xi32>, vector<16xi32> -> vector<16xi32>
      %add3A_900 = arith.addi %add3A_893, %gather3A_899 : vector<16xi32>
      %xor3A_901 = arith.constant 8 : i32
      %xor3A_902 = vector.broadcast %xor3A_901 : i32 to vector<16xi32>
      %xor3A_903 = arith.xori %iota3A_879, %xor3A_902 : vector<16xi32>
      %broadcast_in_dim3A_904 = vector.shape_cast %xor3A_903 : vector<16xi32> to vector<16x1xi32>
      %gather3A_905 = vector.shape_cast %broadcast_in_dim3A_904 : vector<16x1xi32> to vector<16xi32>
      %gather3A_906 = tpu.dynamic_gather %add3A_900[%gather3A_905] in [0] : vector<16xi32>, vector<16xi32> -> vector<16xi32>
      %add3A_907 = arith.addi %add3A_900, %gather3A_906 : vector<16xi32>
      %ge3A_908 = arith.constant 2048 : i32
      %ge3A_909 = vector.broadcast %ge3A_908 : i32 to vector<16xi32>
      %ge3A_910 = arith.cmpi sge, %add3A_907, %ge3A_909 : vector<16xi32>
      %select_n3A_911 = arith.select %ge3A_910, %or3A_864, %select_n3A_861 : vector<16xi1>, vector<16xi32>
      %or3A_912 = arith.constant 4096 : i32
      %or3A_913 = vector.broadcast %or3A_912 : i32 to vector<16xi32>
      %or3A_914 = arith.ori %select_n3A_911, %or3A_913 : vector<16xi32>
      %swap3A_915 = arith.constant 0 : index
      %swap3A_916 = tpu.vector_load %arg6[%swap3A_915] {strides = array<i32>} : memref<16xi32, #tpu.memory_space<vmem>>, vector<16xi32>,
      %swap3A_917 = vector.shape_cast %swap3A_916 : vector<16xi32> to vector<16xi32>
      %swap3A_918 = vector.shape_cast %broadcast_in_dim3A_19 : vector<16xi32> to vector<16xi32>
      tpu.vector_store %arg6[%swap3A_915], %swap3A_918 {strides = array<i32>} : memref<16xi32, #tpu.memory_space<vmem>>, vector<16xi32>,
      %scan3A_919 = arith.constant 0 : i32
      %scan3A_920 = arith.constant 0 : i32
      %scan3A_921 = arith.constant 256 : i32
      %scan3A_922 = arith.addi %scan3A_920, %scan3A_921 : i32
      %scan3A_923 = arith.constant 1 : i32
      %scan3A_924 = scf.for %scan3A_1120 = %scan3A_920 to %scan3A_922 step %scan3A_923 iter_args(%scan3A_1121 = %scan3A_919) -> (i32)  : i32 {
        %mul3A_1122 = arith.constant 16 : i32
        %mul3A_1123 = arith.muli %scan3A_1120, %mul3A_1122 : i32
        %get3A_1124 = arith.index_cast %mul3A_1123 : i32 to index
        %get3A_1125 = tpu.vector_load %arg5[%get3A_1124] {strides = array<i32>} : memref<4096xf32, #tpu.memory_space<vmem>>, vector<16xf32>,
        %get3A_1126 = vector.shape_cast %get3A_1125 : vector<16xf32> to vector<16xf32>
        %bitcast_convert_type3A = tpu.bitcast %get3A_1126 : vector<16xf32> -> vector<16xi32>
        %and3A = arith.constant 2147483647 : i32
        %and3A_1127 = vector.broadcast %and3A : i32 to vector<16xi32>
        %and3A_1128 = arith.andi %bitcast_convert_type3A, %and3A_1127 : vector<16xi32>
        %broadcast_in_dim3A_1129 = arith.constant 1 : i32
        %broadcast_in_dim3A_1130 = vector.broadcast %broadcast_in_dim3A_1129 : i32 to vector<16xi32>
        %get3A_1131 = arith.constant 0 : index
        %get3A_1132 = tpu.vector_load %arg6[%get3A_1131] {strides = array<i32>} : memref<16xi32, #tpu.memory_space<vmem>>, vector<16xi32>,
        %get3A_1133 = vector.shape_cast %get3A_1132 : vector<16xi32> to vector<16xi32>
        %ge3A_1134 = arith.cmpi sge, %and3A_1128, %or3A_914 : vector<16xi32>
        %select_n3A_1135 = arith.select %ge3A_1134, %broadcast_in_dim3A_1130, %broadcast_in_dim3A_19 : vector<16xi1>, vector<16xi32>
        %add3A_1136 = arith.addi %get3A_1133, %select_n3A_1135 : vector<16xi32>
        %swap3A_1137 = arith.constant 0 : index
        %swap3A_1138 = tpu.vector_load %arg6[%swap3A_1137] {strides = array<i32>} : memref<16xi32, #tpu.memory_space<vmem>>, vector<16xi32>,
        %swap3A_1139 = vector.shape_cast %swap3A_1138 : vector<16xi32> to vector<16xi32>
        %swap3A_1140 = vector.shape_cast %add3A_1136 : vector<16xi32> to vector<16xi32>
        tpu.vector_store %arg6[%swap3A_1137], %swap3A_1140 {strides = array<i32>} : memref<16xi32, #tpu.memory_space<vmem>>, vector<16xi32>,
        %scan3A_1141 = arith.constant 0 : i32
        scf.yield %scan3A_1141 : i32
      }
      %scan3A_925 = arith.constant 256 : i32
      %get3A_926 = arith.constant 0 : index
      %get3A_927 = tpu.vector_load %arg6[%get3A_926] {strides = array<i32>} : memref<16xi32, #tpu.memory_space<vmem>>, vector<16xi32>,
      %get3A_928 = vector.shape_cast %get3A_927 : vector<16xi32> to vector<16xi32>
      %iota3A_929 = tpu.iota {dimensions = array<i32: 0>} : vector<16xi32>
      %xor3A_930 = arith.constant 1 : i32
      %xor3A_931 = vector.broadcast %xor3A_930 : i32 to vector<16xi32>
      %xor3A_932 = arith.xori %iota3A_929, %xor3A_931 : vector<16xi32>
      %broadcast_in_dim3A_933 = vector.shape_cast %xor3A_932 : vector<16xi32> to vector<16x1xi32>
      %gather3A_934 = vector.shape_cast %broadcast_in_dim3A_933 : vector<16x1xi32> to vector<16xi32>
      %gather3A_935 = tpu.dynamic_gather %get3A_928[%gather3A_934] in [0] : vector<16xi32>, vector<16xi32> -> vector<16xi32>
      %add3A_936 = arith.addi %get3A_928, %gather3A_935 : vector<16xi32>
      %xor3A_937 = arith.constant 2 : i32
      %xor3A_938 = vector.broadcast %xor3A_937 : i32 to vector<16xi32>
      %xor3A_939 = arith.xori %iota3A_929, %xor3A_938 : vector<16xi32>
      %broadcast_in_dim3A_940 = vector.shape_cast %xor3A_939 : vector<16xi32> to vector<16x1xi32>
      %gather3A_941 = vector.shape_cast %broadcast_in_dim3A_940 : vector<16x1xi32> to vector<16xi32>
      %gather3A_942 = tpu.dynamic_gather %add3A_936[%gather3A_941] in [0] : vector<16xi32>, vector<16xi32> -> vector<16xi32>
      %add3A_943 = arith.addi %add3A_936, %gather3A_942 : vector<16xi32>
      %xor3A_944 = arith.constant 4 : i32
      %xor3A_945 = vector.broadcast %xor3A_944 : i32 to vector<16xi32>
      %xor3A_946 = arith.xori %iota3A_929, %xor3A_945 : vector<16xi32>
      %broadcast_in_dim3A_947 = vector.shape_cast %xor3A_946 : vector<16xi32> to vector<16x1xi32>
      %gather3A_948 = vector.shape_cast %broadcast_in_dim3A_947 : vector<16x1xi32> to vector<16xi32>
      %gather3A_949 = tpu.dynamic_gather %add3A_943[%gather3A_948] in [0] : vector<16xi32>, vector<16xi32> -> vector<16xi32>
      %add3A_950 = arith.addi %add3A_943, %gather3A_949 : vector<16xi32>
      %xor3A_951 = arith.constant 8 : i32
      %xor3A_952 = vector.broadcast %xor3A_951 : i32 to vector<16xi32>
      %xor3A_953 = arith.xori %iota3A_929, %xor3A_952 : vector<16xi32>
      %broadcast_in_dim3A_954 = vector.shape_cast %xor3A_953 : vector<16xi32> to vector<16x1xi32>
      %gather3A_955 = vector.shape_cast %broadcast_in_dim3A_954 : vector<16x1xi32> to vector<16xi32>
      %gather3A_956 = tpu.dynamic_gather %add3A_950[%gather3A_955] in [0] : vector<16xi32>, vector<16xi32> -> vector<16xi32>
      %add3A_957 = arith.addi %add3A_950, %gather3A_956 : vector<16xi32>
      %ge3A_958 = arith.constant 2048 : i32
      %ge3A_959 = vector.broadcast %ge3A_958 : i32 to vector<16xi32>
      %ge3A_960 = arith.cmpi sge, %add3A_957, %ge3A_959 : vector<16xi32>
      %select_n3A_961 = arith.select %ge3A_960, %or3A_914, %select_n3A_911 : vector<16xi1>, vector<16xi32>
      %or3A_962 = arith.constant 2048 : i32
      %or3A_963 = vector.broadcast %or3A_962 : i32 to vector<16xi32>
      %or3A_964 = arith.ori %select_n3A_961, %or3A_963 : vector<16xi32>
      %swap3A_965 = arith.constant 0 : index
      %swap3A_966 = tpu.vector_load %arg6[%swap3A_965] {strides = array<i32>} : memref<16xi32, #tpu.memory_space<vmem>>, vector<16xi32>,
      %swap3A_967 = vector.shape_cast %swap3A_966 : vector<16xi32> to vector<16xi32>
      %swap3A_968 = vector.shape_cast %broadcast_in_dim3A_19 : vector<16xi32> to vector<16xi32>
      tpu.vector_store %arg6[%swap3A_965], %swap3A_968 {strides = array<i32>} : memref<16xi32, #tpu.memory_space<vmem>>, vector<16xi32>,
      %scan3A_969 = arith.constant 0 : i32
      %scan3A_970 = arith.constant 0 : i32
      %scan3A_971 = arith.constant 256 : i32
      %scan3A_972 = arith.addi %scan3A_970, %scan3A_971 : i32
      %scan3A_973 = arith.constant 1 : i32
      %scan3A_974 = scf.for %scan3A_1120 = %scan3A_970 to %scan3A_972 step %scan3A_973 iter_args(%scan3A_1121 = %scan3A_969) -> (i32)  : i32 {
        %mul3A_1122 = arith.constant 16 : i32
        %mul3A_1123 = arith.muli %scan3A_1120, %mul3A_1122 : i32
        %get3A_1124 = arith.index_cast %mul3A_1123 : i32 to index
        %get3A_1125 = tpu.vector_load %arg5[%get3A_1124] {strides = array<i32>} : memref<4096xf32, #tpu.memory_space<vmem>>, vector<16xf32>,
        %get3A_1126 = vector.shape_cast %get3A_1125 : vector<16xf32> to vector<16xf32>
        %bitcast_convert_type3A = tpu.bitcast %get3A_1126 : vector<16xf32> -> vector<16xi32>
        %and3A = arith.constant 2147483647 : i32
        %and3A_1127 = vector.broadcast %and3A : i32 to vector<16xi32>
        %and3A_1128 = arith.andi %bitcast_convert_type3A, %and3A_1127 : vector<16xi32>
        %broadcast_in_dim3A_1129 = arith.constant 1 : i32
        %broadcast_in_dim3A_1130 = vector.broadcast %broadcast_in_dim3A_1129 : i32 to vector<16xi32>
        %get3A_1131 = arith.constant 0 : index
        %get3A_1132 = tpu.vector_load %arg6[%get3A_1131] {strides = array<i32>} : memref<16xi32, #tpu.memory_space<vmem>>, vector<16xi32>,
        %get3A_1133 = vector.shape_cast %get3A_1132 : vector<16xi32> to vector<16xi32>
        %ge3A_1134 = arith.cmpi sge, %and3A_1128, %or3A_964 : vector<16xi32>
        %select_n3A_1135 = arith.select %ge3A_1134, %broadcast_in_dim3A_1130, %broadcast_in_dim3A_19 : vector<16xi1>, vector<16xi32>
        %add3A_1136 = arith.addi %get3A_1133, %select_n3A_1135 : vector<16xi32>
        %swap3A_1137 = arith.constant 0 : index
        %swap3A_1138 = tpu.vector_load %arg6[%swap3A_1137] {strides = array<i32>} : memref<16xi32, #tpu.memory_space<vmem>>, vector<16xi32>,
        %swap3A_1139 = vector.shape_cast %swap3A_1138 : vector<16xi32> to vector<16xi32>
        %swap3A_1140 = vector.shape_cast %add3A_1136 : vector<16xi32> to vector<16xi32>
        tpu.vector_store %arg6[%swap3A_1137], %swap3A_1140 {strides = array<i32>} : memref<16xi32, #tpu.memory_space<vmem>>, vector<16xi32>,
        %scan3A_1141 = arith.constant 0 : i32
        scf.yield %scan3A_1141 : i32
      }
      %scan3A_975 = arith.constant 256 : i32
      %get3A_976 = arith.constant 0 : index
      %get3A_977 = tpu.vector_load %arg6[%get3A_976] {strides = array<i32>} : memref<16xi32, #tpu.memory_space<vmem>>, vector<16xi32>,
      %get3A_978 = vector.shape_cast %get3A_977 : vector<16xi32> to vector<16xi32>
      %iota3A_979 = tpu.iota {dimensions = array<i32: 0>} : vector<16xi32>
      %xor3A_980 = arith.constant 1 : i32
      %xor3A_981 = vector.broadcast %xor3A_980 : i32 to vector<16xi32>
      %xor3A_982 = arith.xori %iota3A_979, %xor3A_981 : vector<16xi32>
      %broadcast_in_dim3A_983 = vector.shape_cast %xor3A_982 : vector<16xi32> to vector<16x1xi32>
      %gather3A_984 = vector.shape_cast %broadcast_in_dim3A_983 : vector<16x1xi32> to vector<16xi32>
      %gather3A_985 = tpu.dynamic_gather %get3A_978[%gather3A_984] in [0] : vector<16xi32>, vector<16xi32> -> vector<16xi32>
      %add3A_986 = arith.addi %get3A_978, %gather3A_985 : vector<16xi32>
      %xor3A_987 = arith.constant 2 : i32
      %xor3A_988 = vector.broadcast %xor3A_987 : i32 to vector<16xi32>
      %xor3A_989 = arith.xori %iota3A_979, %xor3A_988 : vector<16xi32>
      %broadcast_in_dim3A_990 = vector.shape_cast %xor3A_989 : vector<16xi32> to vector<16x1xi32>
      %gather3A_991 = vector.shape_cast %broadcast_in_dim3A_990 : vector<16x1xi32> to vector<16xi32>
      %gather3A_992 = tpu.dynamic_gather %add3A_986[%gather3A_991] in [0] : vector<16xi32>, vector<16xi32> -> vector<16xi32>
      %add3A_993 = arith.addi %add3A_986, %gather3A_992 : vector<16xi32>
      %xor3A_994 = arith.constant 4 : i32
      %xor3A_995 = vector.broadcast %xor3A_994 : i32 to vector<16xi32>
      %xor3A_996 = arith.xori %iota3A_979, %xor3A_995 : vector<16xi32>
      %broadcast_in_dim3A_997 = vector.shape_cast %xor3A_996 : vector<16xi32> to vector<16x1xi32>
      %gather3A_998 = vector.shape_cast %broadcast_in_dim3A_997 : vector<16x1xi32> to vector<16xi32>
      %gather3A_999 = tpu.dynamic_gather %add3A_993[%gather3A_998] in [0] : vector<16xi32>, vector<16xi32> -> vector<16xi32>
      %add3A_1000 = arith.addi %add3A_993, %gather3A_999 : vector<16xi32>
      %xor3A_1001 = arith.constant 8 : i32
      %xor3A_1002 = vector.broadcast %xor3A_1001 : i32 to vector<16xi32>
      %xor3A_1003 = arith.xori %iota3A_979, %xor3A_1002 : vector<16xi32>
      %broadcast_in_dim3A_1004 = vector.shape_cast %xor3A_1003 : vector<16xi32> to vector<16x1xi32>
      %gather3A_1005 = vector.shape_cast %broadcast_in_dim3A_1004 : vector<16x1xi32> to vector<16xi32>
      %gather3A_1006 = tpu.dynamic_gather %add3A_1000[%gather3A_1005] in [0] : vector<16xi32>, vector<16xi32> -> vector<16xi32>
      %add3A_1007 = arith.addi %add3A_1000, %gather3A_1006 : vector<16xi32>
      %ge3A_1008 = arith.constant 2048 : i32
      %ge3A_1009 = vector.broadcast %ge3A_1008 : i32 to vector<16xi32>
      %ge3A_1010 = arith.cmpi sge, %add3A_1007, %ge3A_1009 : vector<16xi32>
      %select_n3A_1011 = arith.select %ge3A_1010, %or3A_964, %select_n3A_961 : vector<16xi1>, vector<16xi32>
      %or3A_1012 = arith.constant 1024 : i32
      %or3A_1013 = vector.broadcast %or3A_1012 : i32 to vector<16xi32>
      %or3A_1014 = arith.ori %select_n3A_1011, %or3A_1013 : vector<16xi32>
      %swap3A_1015 = arith.constant 0 : index
      %swap3A_1016 = tpu.vector_load %arg6[%swap3A_1015] {strides = array<i32>} : memref<16xi32, #tpu.memory_space<vmem>>, vector<16xi32>,
      %swap3A_1017 = vector.shape_cast %swap3A_1016 : vector<16xi32> to vector<16xi32>
      %swap3A_1018 = vector.shape_cast %broadcast_in_dim3A_19 : vector<16xi32> to vector<16xi32>
      tpu.vector_store %arg6[%swap3A_1015], %swap3A_1018 {strides = array<i32>} : memref<16xi32, #tpu.memory_space<vmem>>, vector<16xi32>,
      %scan3A_1019 = arith.constant 0 : i32
      %scan3A_1020 = arith.constant 0 : i32
      %scan3A_1021 = arith.constant 256 : i32
      %scan3A_1022 = arith.addi %scan3A_1020, %scan3A_1021 : i32
      %scan3A_1023 = arith.constant 1 : i32
      %scan3A_1024 = scf.for %scan3A_1120 = %scan3A_1020 to %scan3A_1022 step %scan3A_1023 iter_args(%scan3A_1121 = %scan3A_1019) -> (i32)  : i32 {
        %mul3A_1122 = arith.constant 16 : i32
        %mul3A_1123 = arith.muli %scan3A_1120, %mul3A_1122 : i32
        %get3A_1124 = arith.index_cast %mul3A_1123 : i32 to index
        %get3A_1125 = tpu.vector_load %arg5[%get3A_1124] {strides = array<i32>} : memref<4096xf32, #tpu.memory_space<vmem>>, vector<16xf32>,
        %get3A_1126 = vector.shape_cast %get3A_1125 : vector<16xf32> to vector<16xf32>
        %bitcast_convert_type3A = tpu.bitcast %get3A_1126 : vector<16xf32> -> vector<16xi32>
        %and3A = arith.constant 2147483647 : i32
        %and3A_1127 = vector.broadcast %and3A : i32 to vector<16xi32>
        %and3A_1128 = arith.andi %bitcast_convert_type3A, %and3A_1127 : vector<16xi32>
        %broadcast_in_dim3A_1129 = arith.constant 1 : i32
        %broadcast_in_dim3A_1130 = vector.broadcast %broadcast_in_dim3A_1129 : i32 to vector<16xi32>
        %get3A_1131 = arith.constant 0 : index
        %get3A_1132 = tpu.vector_load %arg6[%get3A_1131] {strides = array<i32>} : memref<16xi32, #tpu.memory_space<vmem>>, vector<16xi32>,
        %get3A_1133 = vector.shape_cast %get3A_1132 : vector<16xi32> to vector<16xi32>
        %ge3A_1134 = arith.cmpi sge, %and3A_1128, %or3A_1014 : vector<16xi32>
        %select_n3A_1135 = arith.select %ge3A_1134, %broadcast_in_dim3A_1130, %broadcast_in_dim3A_19 : vector<16xi1>, vector<16xi32>
        %add3A_1136 = arith.addi %get3A_1133, %select_n3A_1135 : vector<16xi32>
        %swap3A_1137 = arith.constant 0 : index
        %swap3A_1138 = tpu.vector_load %arg6[%swap3A_1137] {strides = array<i32>} : memref<16xi32, #tpu.memory_space<vmem>>, vector<16xi32>,
        %swap3A_1139 = vector.shape_cast %swap3A_1138 : vector<16xi32> to vector<16xi32>
        %swap3A_1140 = vector.shape_cast %add3A_1136 : vector<16xi32> to vector<16xi32>
        tpu.vector_store %arg6[%swap3A_1137], %swap3A_1140 {strides = array<i32>} : memref<16xi32, #tpu.memory_space<vmem>>, vector<16xi32>,
        %scan3A_1141 = arith.constant 0 : i32
        scf.yield %scan3A_1141 : i32
      }
      %scan3A_1025 = arith.constant 256 : i32
      %get3A_1026 = arith.constant 0 : index
      %get3A_1027 = tpu.vector_load %arg6[%get3A_1026] {strides = array<i32>} : memref<16xi32, #tpu.memory_space<vmem>>, vector<16xi32>,
      %get3A_1028 = vector.shape_cast %get3A_1027 : vector<16xi32> to vector<16xi32>
      %iota3A_1029 = tpu.iota {dimensions = array<i32: 0>} : vector<16xi32>
      %xor3A_1030 = arith.constant 1 : i32
      %xor3A_1031 = vector.broadcast %xor3A_1030 : i32 to vector<16xi32>
      %xor3A_1032 = arith.xori %iota3A_1029, %xor3A_1031 : vector<16xi32>
      %broadcast_in_dim3A_1033 = vector.shape_cast %xor3A_1032 : vector<16xi32> to vector<16x1xi32>
      %gather3A_1034 = vector.shape_cast %broadcast_in_dim3A_1033 : vector<16x1xi32> to vector<16xi32>
      %gather3A_1035 = tpu.dynamic_gather %get3A_1028[%gather3A_1034] in [0] : vector<16xi32>, vector<16xi32> -> vector<16xi32>
      %add3A_1036 = arith.addi %get3A_1028, %gather3A_1035 : vector<16xi32>
      %xor3A_1037 = arith.constant 2 : i32
      %xor3A_1038 = vector.broadcast %xor3A_1037 : i32 to vector<16xi32>
      %xor3A_1039 = arith.xori %iota3A_1029, %xor3A_1038 : vector<16xi32>
      %broadcast_in_dim3A_1040 = vector.shape_cast %xor3A_1039 : vector<16xi32> to vector<16x1xi32>
      %gather3A_1041 = vector.shape_cast %broadcast_in_dim3A_1040 : vector<16x1xi32> to vector<16xi32>
      %gather3A_1042 = tpu.dynamic_gather %add3A_1036[%gather3A_1041] in [0] : vector<16xi32>, vector<16xi32> -> vector<16xi32>
      %add3A_1043 = arith.addi %add3A_1036, %gather3A_1042 : vector<16xi32>
      %xor3A_1044 = arith.constant 4 : i32
      %xor3A_1045 = vector.broadcast %xor3A_1044 : i32 to vector<16xi32>
      %xor3A_1046 = arith.xori %iota3A_1029, %xor3A_1045 : vector<16xi32>
      %broadcast_in_dim3A_1047 = vector.shape_cast %xor3A_1046 : vector<16xi32> to vector<16x1xi32>
      %gather3A_1048 = vector.shape_cast %broadcast_in_dim3A_1047 : vector<16x1xi32> to vector<16xi32>
      %gather3A_1049 = tpu.dynamic_gather %add3A_1043[%gather3A_1048] in [0] : vector<16xi32>, vector<16xi32> -> vector<16xi32>
      %add3A_1050 = arith.addi %add3A_1043, %gather3A_1049 : vector<16xi32>
      %xor3A_1051 = arith.constant 8 : i32
      %xor3A_1052 = vector.broadcast %xor3A_1051 : i32 to vector<16xi32>
      %xor3A_1053 = arith.xori %iota3A_1029, %xor3A_1052 : vector<16xi32>
      %broadcast_in_dim3A_1054 = vector.shape_cast %xor3A_1053 : vector<16xi32> to vector<16x1xi32>
      %gather3A_1055 = vector.shape_cast %broadcast_in_dim3A_1054 : vector<16x1xi32> to vector<16xi32>
      %gather3A_1056 = tpu.dynamic_gather %add3A_1050[%gather3A_1055] in [0] : vector<16xi32>, vector<16xi32> -> vector<16xi32>
      %add3A_1057 = arith.addi %add3A_1050, %gather3A_1056 : vector<16xi32>
      %ge3A_1058 = arith.constant 2048 : i32
      %ge3A_1059 = vector.broadcast %ge3A_1058 : i32 to vector<16xi32>
      %ge3A_1060 = arith.cmpi sge, %add3A_1057, %ge3A_1059 : vector<16xi32>
      %select_n3A_1061 = arith.select %ge3A_1060, %or3A_1014, %select_n3A_1011 : vector<16xi1>, vector<16xi32>
      %or3A_1062 = arith.constant 512 : i32
      %or3A_1063 = vector.broadcast %or3A_1062 : i32 to vector<16xi32>
      %or3A_1064 = arith.ori %select_n3A_1061, %or3A_1063 : vector<16xi32>
      %swap3A_1065 = arith.constant 0 : index
      %swap3A_1066 = tpu.vector_load %arg6[%swap3A_1065] {strides = array<i32>} : memref<16xi32, #tpu.memory_space<vmem>>, vector<16xi32>,
      %swap3A_1067 = vector.shape_cast %swap3A_1066 : vector<16xi32> to vector<16xi32>
      %swap3A_1068 = vector.shape_cast %broadcast_in_dim3A_19 : vector<16xi32> to vector<16xi32>
      tpu.vector_store %arg6[%swap3A_1065], %swap3A_1068 {strides = array<i32>} : memref<16xi32, #tpu.memory_space<vmem>>, vector<16xi32>,
      %scan3A_1069 = arith.constant 0 : i32
      %scan3A_1070 = arith.constant 0 : i32
      %scan3A_1071 = arith.constant 256 : i32
      %scan3A_1072 = arith.addi %scan3A_1070, %scan3A_1071 : i32
      %scan3A_1073 = arith.constant 1 : i32
      %scan3A_1074 = scf.for %scan3A_1120 = %scan3A_1070 to %scan3A_1072 step %scan3A_1073 iter_args(%scan3A_1121 = %scan3A_1069) -> (i32)  : i32 {
        %mul3A_1122 = arith.constant 16 : i32
        %mul3A_1123 = arith.muli %scan3A_1120, %mul3A_1122 : i32
        %get3A_1124 = arith.index_cast %mul3A_1123 : i32 to index
        %get3A_1125 = tpu.vector_load %arg5[%get3A_1124] {strides = array<i32>} : memref<4096xf32, #tpu.memory_space<vmem>>, vector<16xf32>,
        %get3A_1126 = vector.shape_cast %get3A_1125 : vector<16xf32> to vector<16xf32>
        %bitcast_convert_type3A = tpu.bitcast %get3A_1126 : vector<16xf32> -> vector<16xi32>
        %and3A = arith.constant 2147483647 : i32
        %and3A_1127 = vector.broadcast %and3A : i32 to vector<16xi32>
        %and3A_1128 = arith.andi %bitcast_convert_type3A, %and3A_1127 : vector<16xi32>
        %broadcast_in_dim3A_1129 = arith.constant 1 : i32
        %broadcast_in_dim3A_1130 = vector.broadcast %broadcast_in_dim3A_1129 : i32 to vector<16xi32>
        %get3A_1131 = arith.constant 0 : index
        %get3A_1132 = tpu.vector_load %arg6[%get3A_1131] {strides = array<i32>} : memref<16xi32, #tpu.memory_space<vmem>>, vector<16xi32>,
        %get3A_1133 = vector.shape_cast %get3A_1132 : vector<16xi32> to vector<16xi32>
        %ge3A_1134 = arith.cmpi sge, %and3A_1128, %or3A_1064 : vector<16xi32>
        %select_n3A_1135 = arith.select %ge3A_1134, %broadcast_in_dim3A_1130, %broadcast_in_dim3A_19 : vector<16xi1>, vector<16xi32>
        %add3A_1136 = arith.addi %get3A_1133, %select_n3A_1135 : vector<16xi32>
        %swap3A_1137 = arith.constant 0 : index
        %swap3A_1138 = tpu.vector_load %arg6[%swap3A_1137] {strides = array<i32>} : memref<16xi32, #tpu.memory_space<vmem>>, vector<16xi32>,
        %swap3A_1139 = vector.shape_cast %swap3A_1138 : vector<16xi32> to vector<16xi32>
        %swap3A_1140 = vector.shape_cast %add3A_1136 : vector<16xi32> to vector<16xi32>
        tpu.vector_store %arg6[%swap3A_1137], %swap3A_1140 {strides = array<i32>} : memref<16xi32, #tpu.memory_space<vmem>>, vector<16xi32>,
        %scan3A_1141 = arith.constant 0 : i32
        scf.yield %scan3A_1141 : i32
      }
      %scan3A_1075 = arith.constant 256 : i32
      %get3A_1076 = arith.constant 0 : index
      %get3A_1077 = tpu.vector_load %arg6[%get3A_1076] {strides = array<i32>} : memref<16xi32, #tpu.memory_space<vmem>>, vector<16xi32>,
      %get3A_1078 = vector.shape_cast %get3A_1077 : vector<16xi32> to vector<16xi32>
      %iota3A_1079 = tpu.iota {dimensions = array<i32: 0>} : vector<16xi32>
      %xor3A_1080 = arith.constant 1 : i32
      %xor3A_1081 = vector.broadcast %xor3A_1080 : i32 to vector<16xi32>
      %xor3A_1082 = arith.xori %iota3A_1079, %xor3A_1081 : vector<16xi32>
      %broadcast_in_dim3A_1083 = vector.shape_cast %xor3A_1082 : vector<16xi32> to vector<16x1xi32>
      %gather3A_1084 = vector.shape_cast %broadcast_in_dim3A_1083 : vector<16x1xi32> to vector<16xi32>
      %gather3A_1085 = tpu.dynamic_gather %get3A_1078[%gather3A_1084] in [0] : vector<16xi32>, vector<16xi32> -> vector<16xi32>
      %add3A_1086 = arith.addi %get3A_1078, %gather3A_1085 : vector<16xi32>
      %xor3A_1087 = arith.constant 2 : i32
      %xor3A_1088 = vector.broadcast %xor3A_1087 : i32 to vector<16xi32>
      %xor3A_1089 = arith.xori %iota3A_1079, %xor3A_1088 : vector<16xi32>
      %broadcast_in_dim3A_1090 = vector.shape_cast %xor3A_1089 : vector<16xi32> to vector<16x1xi32>
      %gather3A_1091 = vector.shape_cast %broadcast_in_dim3A_1090 : vector<16x1xi32> to vector<16xi32>
      %gather3A_1092 = tpu.dynamic_gather %add3A_1086[%gather3A_1091] in [0] : vector<16xi32>, vector<16xi32> -> vector<16xi32>
      %add3A_1093 = arith.addi %add3A_1086, %gather3A_1092 : vector<16xi32>
      %xor3A_1094 = arith.constant 4 : i32
      %xor3A_1095 = vector.broadcast %xor3A_1094 : i32 to vector<16xi32>
      %xor3A_1096 = arith.xori %iota3A_1079, %xor3A_1095 : vector<16xi32>
      %broadcast_in_dim3A_1097 = vector.shape_cast %xor3A_1096 : vector<16xi32> to vector<16x1xi32>
      %gather3A_1098 = vector.shape_cast %broadcast_in_dim3A_1097 : vector<16x1xi32> to vector<16xi32>
      %gather3A_1099 = tpu.dynamic_gather %add3A_1093[%gather3A_1098] in [0] : vector<16xi32>, vector<16xi32> -> vector<16xi32>
      %add3A_1100 = arith.addi %add3A_1093, %gather3A_1099 : vector<16xi32>
      %xor3A_1101 = arith.constant 8 : i32
      %xor3A_1102 = vector.broadcast %xor3A_1101 : i32 to vector<16xi32>
      %xor3A_1103 = arith.xori %iota3A_1079, %xor3A_1102 : vector<16xi32>
      %broadcast_in_dim3A_1104 = vector.shape_cast %xor3A_1103 : vector<16xi32> to vector<16x1xi32>
      %gather3A_1105 = vector.shape_cast %broadcast_in_dim3A_1104 : vector<16x1xi32> to vector<16xi32>
      %gather3A_1106 = tpu.dynamic_gather %add3A_1100[%gather3A_1105] in [0] : vector<16xi32>, vector<16xi32> -> vector<16xi32>
      %add3A_1107 = arith.addi %add3A_1100, %gather3A_1106 : vector<16xi32>
      %ge3A_1108 = arith.constant 2048 : i32
      %ge3A_1109 = vector.broadcast %ge3A_1108 : i32 to vector<16xi32>
      %ge3A_1110 = arith.cmpi sge, %add3A_1107, %ge3A_1109 : vector<16xi32>
      %select_n3A_1111 = arith.select %ge3A_1110, %or3A_1064, %select_n3A_1061 : vector<16xi1>, vector<16xi32>
      %scan3A_1112 = arith.constant 0 : i32
      %scan3A_1113 = arith.constant 0 : i32
      %scan3A_1114 = arith.constant 256 : i32
      %scan3A_1115 = arith.addi %scan3A_1113, %scan3A_1114 : i32
      %scan3A_1116 = arith.constant 1 : i32
      %scan3A_1117 = scf.for %scan3A_1120 = %scan3A_1113 to %scan3A_1115 step %scan3A_1116 iter_args(%scan3A_1121 = %scan3A_1112) -> (i32)  : i32 {
        %mul3A_1122 = arith.constant 16 : i32
        %mul3A_1123 = arith.muli %scan3A_1120, %mul3A_1122 : i32
        %get3A_1124 = arith.index_cast %mul3A_1123 : i32 to index
        %get3A_1125 = tpu.vector_load %arg5[%get3A_1124] {strides = array<i32>} : memref<4096xf32, #tpu.memory_space<vmem>>, vector<16xf32>,
        %get3A_1126 = vector.shape_cast %get3A_1125 : vector<16xf32> to vector<16xf32>
        %bitcast_convert_type3A = tpu.bitcast %get3A_1126 : vector<16xf32> -> vector<16xi32>
        %and3A = arith.constant 2147483647 : i32
        %and3A_1127 = vector.broadcast %and3A : i32 to vector<16xi32>
        %and3A_1128 = arith.andi %bitcast_convert_type3A, %and3A_1127 : vector<16xi32>
        %ge3A_1129 = arith.cmpi sge, %and3A_1128, %select_n3A_1111 : vector<16xi32>
        %jit3A = arith.constant 0.000000e+00 : f32
        %broadcast_in_dim3A_1130 = vector.broadcast %jit3A : f32 to vector<16xf32>
        %select_n3A_1131 = arith.select %ge3A_1129, %get3A_1126, %broadcast_in_dim3A_1130 : vector<16xi1>, vector<16xf32>
        %swap3A_1132 = arith.index_cast %mul3A_1123 : i32 to index
        %swap3A_1133 = tpu.vector_load %arg4[%swap3A_1132] {strides = array<i32>} : memref<4096xf32, #tpu.memory_space<vmem>>, vector<16xf32>,
        %swap3A_1134 = vector.shape_cast %swap3A_1133 : vector<16xf32> to vector<16xf32>
        %swap3A_1135 = vector.shape_cast %select_n3A_1131 : vector<16xf32> to vector<16xf32>
        tpu.vector_store %arg4[%swap3A_1132], %swap3A_1135 {strides = array<i32>} : memref<4096xf32, #tpu.memory_space<vmem>>, vector<16xf32>,
        %scan3A_1136 = arith.constant 0 : i32
        scf.yield %scan3A_1136 : i32
      }
      %scan3A_1118 = arith.constant 256 : i32
      "tpu.region"() ({
        %run_scoped3A = tpu.sem_alloc : memref<!tpu.dma_semaphore, #tpu.memory_space<semaphore_mem>>
        %dma_start3A = arith.constant 0 : i32
        %dma_start3A_1120 = tpu.memref_slice %arg3[%add3A_11, %dma_start3A] : memref<8192x4096xf32, #tpu.memory_space<hbm>> -> memref<1x4096xf32, #tpu.memory_space<hbm>>
        %dma_start3A_1121 = tpu.memref_squeeze %dma_start3A_1120 : memref<1x4096xf32, #tpu.memory_space<hbm>> -> memref<4096xf32, #tpu.memory_space<hbm>>
        %dma_start3A_1122 = arith.constant 0 : i32
        %dma_start3A_1123 = tpu.memref_slice %arg3[%add3A_11, %dma_start3A_1122] : memref<8192x4096xf32, #tpu.memory_space<hbm>> -> memref<1x4096xf32, #tpu.memory_space<hbm>>
        %dma_start3A_1124 = tpu.memref_squeeze %dma_start3A_1123 : memref<1x4096xf32, #tpu.memory_space<hbm>> -> memref<4096xf32, #tpu.memory_space<hbm>>
        tpu.enqueue_dma source(%arg4 : memref<4096xf32, #tpu.memory_space<vmem>>) target(%dma_start3A_1124 : memref<4096xf32, #tpu.memory_space<hbm>>) target_semaphore(%run_scoped3A : memref<!tpu.dma_semaphore, #tpu.memory_space<semaphore_mem>>)
        %dma_wait3A = arith.constant 0 : i32
        %dma_wait3A_1125 = tpu.memref_slice %arg3[%add3A_11, %dma_wait3A] : memref<8192x4096xf32, #tpu.memory_space<hbm>> -> memref<1x4096xf32, #tpu.memory_space<hbm>>
        %dma_wait3A_1126 = tpu.memref_squeeze %dma_wait3A_1125 : memref<1x4096xf32, #tpu.memory_space<hbm>> -> memref<4096xf32, #tpu.memory_space<hbm>>
        %dma_wait3A_1127 = arith.constant 0 : i32
        %dma_wait3A_1128 = tpu.memref_slice %arg3[%add3A_11, %dma_wait3A_1127] : memref<8192x4096xf32, #tpu.memory_space<hbm>> -> memref<1x4096xf32, #tpu.memory_space<hbm>>
        %dma_wait3A_1129 = tpu.memref_squeeze %dma_wait3A_1128 : memref<1x4096xf32, #tpu.memory_space<hbm>> -> memref<4096xf32, #tpu.memory_space<hbm>>
        tpu.wait_dma2 semaphore(%run_scoped3A : memref<!tpu.dma_semaphore, #tpu.memory_space<semaphore_mem>>) src(%arg4 : memref<4096xf32, #tpu.memory_space<vmem>>) dst(%dma_wait3A_1129 : memref<4096xf32, #tpu.memory_space<hbm>>)
        tpu.yield
      }) : () -> ()
      %scan3A_1119 = arith.constant 0 : i32
      scf.yield %scan3A_1119 : i32
    }
    %scan3A_6 = arith.constant 256 : i32
    return
  }
}

</mosaic_0001>

<sc_bundles>
// kernel: kernel.3.cloned.1.call-start
scs
__scs_entry_jumppad:
0x0: {  	(pc) =	sbr.rel $0x88, $3  }
0x1: {  	(tag) =	ssettag $0x0;
	lr =	simm.s32 $0x1  }
0x2: {  	[smem:$0x3FA0] =	sst lr;
	_ =	strace $0xD0000000  }
0x3: {  	_ = 	snop  }
0x4: {  	_ = 	snop  }
0x5: {  	_ = 	snop  }
0x6: {  	_ = 	snop  }
0x7: {  	_ = 	snop  }
__scs_overlays_trampoline_lowered:
0x8: {  	[smem:$0x3FAF] =	sst s0  }
0x9: {  	[smem:$0x3FB0] =	sst s1  }
0xa: {  	[smem:$0x3FB1] =	sst s2  }
0xb: {  	[smem:$0x3FB2] =	sst s3  }
0xc: {  	[smem:$0x3FB3] =	sst s4  }
0xd: {  	[smem:$0x3FB4] =	sst s5  }
0xe: {  	[smem:$0x3FB5] =	sst s6  }
0xf: {  	[smem:$0x3FB6] =	sst s7  }
0x10: {  	[smem:$0x3FB7] =	sst s8  }
0x11: {  	[smem:$0x3FB8] =	sst s9;
	s0 =	simm.s32 @!p0 $0x0  }
0x12: {  	s1 =	sld [smem:$0x3F9E];
	s0 =	simm.s32 @p0 $0x1  }
0x13: {  	[smem:$0x3FB9] =	sst s0;
	s0 =	simm.s32 @!p1 $0x0  }
0x14: {  	s2 =	sld [smem:$0x3F9D];
	s0 =	simm.s32 @p1 $0x1  }
0x15: {  	[smem:$0x3FBA] =	sst s0;
	s0 =	simm.s32 @!p2 $0x0  }
0x16: {  	s3 =	sld [smem:$0x3FDB];
	s0 =	simm.s32 @p2 $0x1  }
0x17: {  	s4 =	simm.s32 $0x1BF5;
	[smem:$0x3FBC] =	sst s0  }
0x18: {  	s0 =	sld [smem:$0x3F9F];
	_ =	swait.ge [sflag:s4], $0x0  }
0x19: {  	s7 =	sld [smem:$0x3FA0]  }
0x1a: {  	s8 =	sadd.s32 $0xFFFFE003, lr  }
0x1b: {  	s9 =	sadd.s32 $0xFFFFFEF7, lr;
	s5 =	simm.s32 $0xFFFFFFFF;
	p2 =	slt.u32 s8, $0xFFFFF086  }
0x1c: {  	p1 =	slt.u32 s9, $0xF7A;
	s5 =	simm.s32 @!p2 $0x0  }
0x1d: {  	s5 =	simm.s32 @p1 $0x1;
	p0 =	seq.s32 s7, s2  }
0x1e: {  	s7 =	smul.u32 @!p0 $0xF7A, s2;
	p2 =	seq.s32 @!p0 s5, $0x0  }
0x1f: {  	s9 =	smul.u32 $0xF7A, s1;
	s8 =	simm.s32 @!p0 $0x1BF5;
	p2 =	por !p2, p0  }
0x20: {  	[sflag:s8] =	ssyncset.s32 @!p0 $0xFFFFF086;
	s6 =	sadd.s32 @!p0 s3, s7;
	s7 =	simm.s32 @!p0 $0x108  }
0x21: {  	s3 =	sadd.s32 s3, s9;
	s6 =	sadd.s32 @!p0 $0x88, s6;
	s7 =	simm.s32 @p2 $0x1082  }
0x22: {  	[simem:s7], [sflag:s8] =	dma.local @!p0 [hbm:s6], $0xF7A  }
0x23: {  	s9 =	sor.u32 $0xD0000000, s2;
	s6 =	simm.s32 $0x108;
	_ =	swait.ge @!p0 [sflag:s8], $0x0  }
0x24: {  	s3 =	sadd.s32 $0x88, s3;
	s6 =	simm.s32 @!p1 $0x1082;
	[sflag:s4] =	ssyncset.s32 $0xFFFFF086  }
0x25: {  	[simem:s6], [sflag:s4] =	dma.local [hbm:s3], $0xF7A  }
0x26: {  	[smem:$0x3FA0] =	sst s1;
	(tag) =	ssettag s2;
	_ =	strace s9  }
0x27: {  	s1 =	sld [smem:$0x3FB0]  }
0x28: {  	s2 =	sld [smem:$0x3FB1]  }
0x29: {  	s4 =	sld [smem:$0x3FB3]  }
0x2a: {  	p0 =	seq.s32 s5, $0x0;
	s5 =	sld [smem:$0x3FB4]  }
0x2b: {  	s6 =	sld [smem:$0x3FB5]  }
0x2c: {  	s7 =	sld [smem:$0x3FB6]  }
0x2d: {  	s3 =	simm.s32 $0x108;
	s8 =	sld [smem:$0x3FB7]  }
0x2e: {  	s3 =	simm.s32 @!p0 $0x1082;
	s9 =	sld [smem:$0x3FB8]  }
0x2f: {  	lr =	sadd.s32 s0, s3;
	s0 =	sld [smem:$0x3FAF]  }
0x30: {  	s3 =	sld [smem:$0x3FB2]  }
0x31: {  	[smem:$0x3FBB] =	sst s10  }
0x32: {  	s10 =	sld [smem:$0x3FB9];
	_ =	sdelay $0x3  }
0x33: {  	p0 =	seq.s32 s10, $0x1;
	s10 =	sld [smem:$0x3FBB];
	_ =	sdelay $0x3  }
0x34: {  	[smem:$0x3FBB] =	sst s10  }
0x35: {  	s10 =	sld [smem:$0x3FBA];
	_ =	sdelay $0x3  }
0x36: {  	p1 =	seq.s32 s10, $0x1;
	s10 =	sld [smem:$0x3FBB];
	_ =	sdelay $0x3  }
0x37: {  	[smem:$0x3FBB] =	sst s10  }
0x38: {  	s10 =	sld [smem:$0x3FBC]  }
0x39: {  	_ = 	snop;
	(pc) =	sbr.ind lr, $3  }
0x3a: {  	_ = 	snop  }
0x3b: {  	_ = 	snop  }
0x3c: {  	p2 =	seq.s32 s10, $0x1;
	s10 =	sld [smem:$0x3FBB]  }
0x3d: {  	_ =	shalt  }
0x3e: {  	_ =	shalt  }
0x3f: {  	_ =	shalt  }
0x40: {  	_ =	shalt  }
0x41: {  	_ =	shalt  }
0x42: {  	_ =	shalt  }
0x43: {  	_ =	shalt  }
0x44: {  	_ =	shalt  }
0x45: {  	_ =	shalt  }
0x46: {  	_ =	shalt  }
0x47: {  	_ =	shalt  }
0x48: {  	_ =	shalt  }
0x49: {  	_ =	shalt  }
0x4a: {  	_ =	shalt  }
0x4b: {  	_ =	shalt  }
0x4c: {  	_ =	shalt  }
0x4d: {  	_ =	shalt  }
0x4e: {  	_ =	shalt  }
0x4f: {  	_ =	shalt  }
0x50: {  	_ =	shalt  }
0x51: {  	_ =	shalt  }
0x52: {  	_ =	shalt  }
0x53: {  	_ =	shalt  }
0x54: {  	_ =	shalt  }
0x55: {  	_ =	shalt  }
0x56: {  	_ =	shalt  }
0x57: {  	_ =	shalt  }
0x58: {  	_ =	shalt  }
0x59: {  	_ =	shalt  }
0x5a: {  	_ =	shalt  }
0x5b: {  	_ =	shalt  }
0x5c: {  	_ =	shalt  }
0x5d: {  	_ =	shalt  }
0x5e: {  	_ =	shalt  }
0x5f: {  	_ =	shalt  }
0x60: {  	_ =	shalt  }
0x61: {  	_ =	shalt  }
0x62: {  	_ =	shalt  }
0x63: {  	_ =	shalt  }
0x64: {  	_ =	shalt  }
0x65: {  	_ =	shalt  }
0x66: {  	_ =	shalt  }
0x67: {  	_ =	shalt  }
0x68: {  	_ =	shalt  }
0x69: {  	_ =	shalt  }
0x6a: {  	_ =	shalt  }
0x6b: {  	_ =	shalt  }
0x6c: {  	_ =	shalt  }
0x6d: {  	_ =	shalt  }
0x6e: {  	_ =	shalt  }
0x6f: {  	_ =	shalt  }
0x70: {  	_ =	shalt  }
0x71: {  	_ =	shalt  }
0x72: {  	_ =	shalt  }
0x73: {  	_ =	shalt  }
0x74: {  	_ =	shalt  }
0x75: {  	_ =	shalt  }
0x76: {  	_ =	shalt  }
0x77: {  	_ =	shalt  }
0x78: {  	_ =	shalt  }
0x79: {  	_ =	shalt  }
0x7a: {  	_ =	shalt  }
0x7b: {  	_ =	shalt  }
0x7c: {  	_ =	shalt  }
0x7d: {  	_ =	shalt  }
0x7e: {  	_ =	shalt  }
0x7f: {  	_ =	shalt  }
0x80: {  	_ =	shalt  }
0x81: {  	_ =	shalt  }
0x82: {  	_ =	shalt  }
0x83: {  	_ =	shalt  }
0x84: {  	_ =	shalt  }
0x85: {  	_ =	shalt  }
0x86: {  	_ =	shalt  }
0x87: {  	_ =	shalt  }
.Lfunc_end0:
.L_simem_size_0:
called_computation_lowered:
.L_overlay_start_0:
0x88: {  	s2 =	sld [smem:$0x3FD9]  }
0x89: {  	s3 =	sld [smem:$0x3FFE];
	_ =	sdelay $0x1  }
0x8a: {  	s1 =	srdreg.scid  }
0x8b: {  	s0 =	sand.u32 $0x1, s1  }
0x8c: {  	s18 =	sshll.u32 s0, $0xA;
	s2 =	sadd.s32 s3, s2  }
0x8d: {  	s2 =	sadd.s32 s2, s18  }
0x8e: {  	[smem:$0x3FC7] =	sst s2  }
0x8f: {  	_ = 	snop  }
0x90: {  	s2 =	sld [smem:$0x3FC9]  }
0x91: {  	s19 =	sld [smem:$0x3FD0];
	(tm) =	ssettm $0x1  }
0x92: {  	s4 =	sld [smem:$0x3FFB];
	_ =	sdelay $0x3  }
0x93: {  	_ =	strace s4  }
0x94: {  	s4 =	sld [smem:$0x3FFC];
	_ =	sdelay $0x3  }
0x95: {  	_ =	strace s4  }
0x96: {  	s4 =	sld [smem:$0x3FFD];
	_ =	sdelay $0x3  }
0x97: {  	_ =	strace s4  }
0x98: {  	_ =	strace $0x8FFFFFFF  }
0x99: {  	s20 =	sld [smem:$0x3FDB];
	_ =	sdelay $0x1  }
0x9a: {  	s5 =	simm.s32 $_scs_section_size  }
0x9b: {  	s6 =	simm.s32 $_size__tile_overlayer_lowered;
	s7 =	simm.s32 $_tile_overlayer_lowered  }
0x9c: {  	s23 =	simm.s32 $0x1BFF;
	s22 =	sshll.u32 s7, $0x1;
	s4 =	sadd.s32 s5, s20  }
0x9d: {  	s8 =	simm.s32 $0x0;
	s21 =	sshll.u32 s6, $0x1;
	s6 =	sadd.s32 s22, s4  }
0x9e: {  	[timem:s8], [sflag:s23] =	dma.local [hbm:s6], s21  }
0x9f: {  	_ =	swait.ge [sflag:s23], s21  }
0xa0: {  	s5 =	ssub.s32 $0x0, s21;
	[sflag:s23] =	ssyncset.done $0x0  }
0xa1: {  	[sflag:s23] =	ssyncadd.s32 s5;
	_ =	sdelay $0x1  }
0xa2: {  	s24 =	simm.s32 $0x1B8B  }
0xa3: {  	_ =	swait.ge [sflag:s24], $0x1  }
0xa4: {  	[sflag:s24] =	ssyncset.done $0x0  }
0xa5: {  	s25 =	simm.s32 $0x1B8E;
	[sflag:s24] =	ssyncadd.s32 $0xFFFFFFFF  }
0xa6: {  	s26 =	simm.s32 $execute0_lowered;
	[smem:$0x3FD2] =	sst s25  }
0xa7: {  	s5 =	sshll.u32 s26, $0x1;
	_ =	strace $0x80000046;
	[dreg:$0x1] =	wrdreg $0xFFFFFFFF  }
0xa8: {  	s28 =	simm.s32 $_size_execute0_lowered;
	s4 =	sadd.s32 s4, s5;
	[dreg:$0x0] =	wrdreg $0x0  }
0xa9: {  	s5 =	sshll.u32 s28, $0x1;
	[dreg:$0x2] =	wrdreg s4  }
0xaa: {  	[dreg:$0x3] =	wrdreg s5  }
0xab: {  	[dreg:$0x4] =	wrdreg $0xC0  }
0xac: {  	_ =	task [dreg:s8], $0x5FFFF  }
0xad: {  	[dreg:$0x1] =	wrdreg $0xFFFFFFFF  }
0xae: {  	[dreg:$0x0] =	wrdreg $0x60  }
0xaf: {  	[dreg:$0x2] =	wrdreg s2  }
0xb0: {  	[dreg:$0x3] =	wrdreg s19  }
0xb1: {  	[dreg:$0x4] =	wrdreg $0x9  }
0xb2: {  	_ =	task.clear_ibuf [dreg:s8], $0x5FFFF;
	_ =	strace $0x90000046  }
0xb3: {  	s29 =	simm.s32 $0x9;
	_ =	strace $0x80000048  }
0xb4: {  	_ =	swait.ge [sflag:s29], $0x1  }
0xb5: {  	[sflag:s29] =	ssyncadd.s32 $0xFFFFFFFF  }
0xb6: {  	_ =	strace $0x90000048  }
0xb7: {  	_ =	sfence  }
0xb8: {  	s30 =	sld [smem:$0x0];
	_ =	sdelay $0x2  }
0xb9: {  	s31 =	sshll.u32 s1, $0xD;
	s1 =	sshrl.u32 s1, $0x2  }
0xba: {  	s3 =	sand.u32 $0x4000, s31;
	s1 =	sadd.s32 s1, s30  }
0xbb: {  	s0 =	sor.u32 s3, s0;
	s1 =	sshll.u32 s1, $0x11  }
0xbc: {  	s0 =	sor.u32 s1, s0  }
0xbd: {  	s0 =	sadd.s32 $0x8F2B, s0  }
0xbe: {  	[sflag:s0] =	ssyncadd.remote.s32 $0x1  }
0xbf: {  	_ =	sfence.sel $0xFFFF  }
0xc0: {  	[dreg:$0x0] =	wrdreg $0xFFFFFFFF;
	(pc) =	sbr.abs _section_cstart, $3  }
0xc1: {  	[dreg:$0x1] =	wrdreg $0xFFFFFFFF  }
0xc2: {  	_ =	task.clear_ibuf [dreg:s8], $0x2FFFF;
	_ =	strace $0x9FFFFFFF  }
0xc3: {  	(tm) =	ssettm $0x7FFFFFFF  }
tec
execute0_lowered:
.L_overlay_start_1:
0x0: {  	(tag) =	ssettag $0x1  }
0x1: {  	v0 =	vimm.s32 $0xEFCDAB89;
	v1 =	vimm.s32 $0x67452301;
	v2 =	vimm.s32 $0xDCFE98BA  }
0x2: {  	v3 =	vimm.s32 $0x54761032;
	v4 =	vimm.s32 $0xBA98FEDC;
	v5 =	vimm.s32 $0xFEDCBA98  }
0x3: {  	s0 =	rddreg [dreg:$0x0];
	v6 =	vimm.s32 $0x32107654;
	v7 =	vimm.s32 $0x76543210;
	v0 =	vunpack.c.l.s4.s8 v0  }
0x4: {  	s2 =	rddreg [dreg:$0x1];
	v1 =	vunpack.c.l.s4.s8 v1;
	v2 =	vunpack.c.l.s4.s8 v2;
	v3 =	vunpack.c.l.s4.s8 v3  }
0x5: {  	s4 =	srdreg.scid;
	s1 =	rddreg [dreg:$0x2];
	s3 =	simm.s32 $0x0;
	v5 =	vunpack.c.l.s4.s8 v5;
	v4 =	vunpack.c.l.s4.s8 v4;
	v6 =	vunpack.c.l.s4.s8 v6  }
0x6: {  	s8 =	simm.s32 $0x400;
	s9 =	simm.s32 $0x1;
	s5 =	sand.u32 $0x1, s4;
	v7 =	vunpack.c.l.s4.s8 v7;
	v0 =	vunpack.c.0.s8.s32 v0;
	v1 =	vunpack.c.0.s8.s32 v1  }
0x7: {  	s10 =	simm.s32 $0x0;
	[smem:$0x7FF] =	sst s3;
	s6 =	ssub.s32 $0x2, s5;
	v2 =	vunpack.c.0.s8.s32 v2;
	v3 =	vunpack.c.0.s8.s32 v3;
	v5 =	vunpack.c.0.s8.s32 v5  }
0x8: {  	s4 =	stileid.u32;
	_ =	strace $0x80000047;
	s7 =	sshrl.u32 s6, $0x1;
	v4 =	vunpack.c.0.s8.s32 v4;
	v6 =	vunpack.c.0.s8.s32 v6;
	v7 =	vunpack.c.0.s8.s32 v7  }
0x9: {  	s31 =	sshll.u32 s4, $0x9;
	s5 =	sshll.u32 s5, $0x8;
	s6 =	ssub.s32 s6, s7;
	v0 =	vcombine.low v1, v0;
	v1 =	vcombine.low v3, v2;
	v3 =	vand.u32 $0xF, v5  }
0xa: {  	s5 =	sor.u32 s5, s31;
	s7 =	simm.s32 $0x80;
	s6 =	smax.u32 s6, $0x1;
	v2 =	vcombine.low v6, v4;
	v4 =	vimm.s32 $0x0;
	v3 =	vcombine.low v3, v7  }
.LBB2_1:
0xb: {  	s11 =	simm.s32 $0x0  }
.LBB2_2:
0xc: {  	s12 =	sadd.s32 s5, s11  }
0xd: {  	s13 =	sshll.u32 s11, $0x4;
	s12 =	sshll.u32 s12, $0x9  }
0xe: {  	s13 =	sand.u32 $0x70, s13;
	s12 =	sand.u32 $0x3FF000, s12  }
0xf: {  	s12 =	sor.u32 s13, s12  }
0x10: {  	s14 =	simm.s32 $0x0;
	s13 =	sadd.s32 s0, s12  }
0x11: {  	[tilespmem:s14], [sflag:$0x1] =	stream.strided.gather [hbm4b:s13+s7], $0x1000, s8, s7, $0x38;
	[tilespmem:$0x2080] =	vst v63  }
0x12: {  	_ =	swait.ge [sflag:s9], $0x1000  }
0x13: {  	[sflag:s9] =	ssyncset.done $0x0  }
0x14: {  	s14 =	simm.s32 $0x0;
	[sflag:s9] =	ssyncadd.s32 $0xFFFFF000  }
0x15: {  	v5 =	vld [tilespmem:s14+$0x0];
	_ =	sdelay $0x1  }
0x16: {  	s13 =	simm.s32 $0x10  }
0x17: {  	v6 =	vld [tilespmem:s13+$0x0];
	_ =	sdelay $0x1  }
0x18: {  	v7 =	vsub.f32 $0.0e+00, v5;
	_ =	sdelay $0x1  }
0x19: {  	v7 =	vmul.f32 $1.442695020e+00, v7  }
0x1a: {  	v8 =	vsub.f32 $0.0e+00, v6  }
0x1b: {  	s15 =	simm.s32 $0x20;
	(erf) = vpow2.f32 v7  }
0x1c: {  	v8 =	vmul.f32 $1.442695020e+00, v8;
	v7 =	vld [tilespmem:s15+$0x0];
	_ =	sdelay $0x1  }
0x1d: {  	(erf) = vpow2.f32 v8  }
0x1e: {  	s16 =	simm.s32 $0x30  }
0x1f: {  	v8 =	vld [tilespmem:s16+$0x0]  }
0x20: {  	v9 =	vsub.f32 $0.0e+00, v7;
	_ =	sdelay $0x1  }
0x21: {  	v9 =	vmul.f32 $1.442695020e+00, v9  }
0x22: {  	v10 =	vpop (erf)  }
0x23: {  	v11 =	vsub.f32 $0.0e+00, v8;
	v10 =	vadd.f32 $1.000000000e+00, v10  }
0x24: {  	(erf) = vpow2.f32 v9  }
0x25: {  	v11 =	vmul.f32 $1.442695020e+00, v11;
	v9 =	vpop (erf);
	(erf) = vrcp.f32 v10  }
0x26: {  	s17 =	simm.s32 $0x40;
	v10 =	vadd.f32 $1.000000000e+00, v9  }
0x27: {  	v9 =	vld [tilespmem:s17+$0x0];
	(erf) = vpow2.f32 v11  }
0x28: {  	(erf) = vrcp.f32 v10;
	_ =	sdelay $0x1  }
0x29: {  	s18 =	simm.s32 $0x140  }
.LBB2_3:
0x2a: {  	s19 =	smov.u32 s16  }
0x2b: {  	v10 =	vsub.f32 $0.0e+00, v9;
	v11 =	vmov v9;
	s16 =	smov.u32 s17;
	s17 =	sshra.s32 s18, $0x2;
	p0 =	sne.s32 s18, $0x3FC0  }
.Ltmp0:
0x2c: {  	s18 =	sadd.s32 $0x40, s18;
	v9 =	vld [tilespmem:s17+$0x0];
	v12 =	vpop (erf);
	(pc) =	sbr.rel @p0 .LBB2_3-.Ltmp0, $4  }
0x2d: {  	v10 =	vmul.f32 $1.442695020e+00, v10;
	v13 =	vpop (erf)  }
0x2e: {  	v12 =	vadd.f32 $1.000000000e+00, v12;
	v13 =	vmul.f32 v13, v5;
	v5 =	vmovc v6;
	v6 =	vmovc v7;
	v7 =	vmov v8  }
0x2f: {  	v8 =	vmov v11;
	(erf) = vpow2.f32 v10  }
0x30: {  	(erf) = vrcp.f32 v12;
	[tilespmem:s14+$0x1000] =	vst v13;
	s14 =	smov.u32 s13;
	s13 =	smov.u32 s15;
	s15 =	smov.u32 s19  }
0x31: {  	v10 =	vsub.f32 $0.0e+00, v9;
	_ =	sdelay $0x1  }
0x32: {  	v10 =	vmul.f32 $1.442695020e+00, v10;
	_ =	sdelay $0x1  }
0x33: {  	(erf) = vpow2.f32 v10;
	_ =	sdelay $0x4  }
0x34: {  	v61 =	vpop (erf)  }
0x35: {  	v11 =	vpop (erf)  }
0x36: {  	v12 =	vpop (erf)  }
0x37: {  	v10 =	vadd.f32 $1.000000000e+00, v61;
	v13 =	vpop (erf)  }
0x38: {  	v12 =	vadd.f32 $1.000000000e+00, v12;
	v14 =	vpop (erf)  }
0x39: {  	(erf) = vrcp.f32 v10;
	v62 =	vadd.f32 $1.000000000e+00, v14  }
0x3a: {  	(erf) = vrcp.f32 v12  }
0x3b: {  	(erf) = vrcp.f32 v62;
	_ =	sdelay $0x5  }
0x3c: {  	v5 =	vmul.f32 v11, v5  }
0x3d: {  	v6 =	vmul.f32 v13, v6;
	v63 =	vpop (erf)  }
0x3e: {  	[tilespmem:s14+$0x1000] =	vst v5;
	v5 =	vmul.f32 v63, v7;
	v7 =	vpop (erf)  }
0x3f: {  	[tilespmem:s13+$0x1000] =	vst v6;
	v6 =	vmul.f32 v7, v8;
	v7 =	vpop (erf)  }
0x40: {  	[tilespmem:s15+$0x1000] =	vst v5;
	v5 =	vmul.f32 v7, v9  }
0x41: {  	[tilespmem:s16+$0x1000] =	vst v6  }
0x42: {  	[tilespmem:s17+$0x1000] =	vst v5;
	v5 =	vimm.s32 $0x0  }
0x43: {  	s14 =	simm.s32 $0x0;
	s13 =	simm.s32 $0x40;
	[tilespmem:$0x2000] =	vst v5  }
.LBB2_5:
0x44: {  	p0 =	sne.s32 s13, $0x3FC0;
	v6 =	vld [tilespmem:s14+$0x1000];
	_ =	sdelay $0x3  }
.Ltmp1:
0x45: {  	(pc) =	sbr.rel @p0 .LBB2_5-.Ltmp1, $4  }
0x46: {  	v6 =	vshrl.u32 v6, $0x1E  }
0x47: {  	v6 =	vand.u32 $0x1, v6  }
0x48: {  	v5 =	vadd.s32 v5, v6  }
0x49: {  	s14 =	sshra.s32 s13, $0x2;
	s13 =	sadd.s32 $0x40, s13;
	[tilespmem:$0x2000] =	vst v5  }
0x4a: {  	v6 =	vld [tilespmem:s14+$0x1000];
	_ =	sdelay $0x4  }
0x4b: {  	v6 =	vshrl.u32 v6, $0x1E  }
0x4c: {  	v6 =	vand.u32 $0x1, v6  }
0x4d: {  	v5 =	vadd.s32 v5, v6  }
0x4e: {  	v6 =	vperm.xlane v5, v0;
	_ =	sdelay $0x1  }
0x4f: {  	v6 =	vadd.s32 v5, v6  }
0x50: {  	v7 =	vperm.xlane v6, v1;
	_ =	sdelay $0x1  }
0x51: {  	v6 =	vadd.s32 v7, v6  }
0x52: {  	v7 =	vperm.xlane v6, v2;
	_ =	sdelay $0x1  }
0x53: {  	v6 =	vadd.s32 v7, v6  }
0x54: {  	v7 =	vperm.xlane v6, v3;
	_ =	sdelay $0x1  }
0x55: {  	v6 =	vadd.s32 v7, v6  }
0x56: {  	v7 =	vimm.s32 $0x0;
	vm0 =	vgt.s32 v6, $0x7FF  }
0x57: {  	[tilespmem:$0x2000] =	vst v5;
	v5 =	vsel vm0, $0x40000000, v7  }
0x58: {  	s14 =	simm.s32 $0x0;
	s13 =	simm.s32 $0x40;
	[tilespmem:$0x2000] =	vst v7;
	v6 =	vor.u32 $0x20000000, v5  }
.LBB2_7:
0x59: {  	p0 =	sne.s32 s13, $0x3FC0;
	v8 =	vld [tilespmem:s14+$0x1000];
	_ =	sdelay $0x4  }
.Ltmp2:
0x5a: {  	v8 =	vand.u32 $0x7FFFFFFF, v8;
	(pc) =	sbr.rel @p0 .LBB2_7-.Ltmp2, $4  }
0x5b: {  	vm0 =	vge.u32 v8, v6  }
0x5c: {  	v8 =	vsel vm0, $0x1, v4  }
0x5d: {  	v7 =	vadd.s32 v8, v7  }
0x5e: {  	s14 =	sshra.s32 s13, $0x2;
	s13 =	sadd.s32 $0x40, s13;
	[tilespmem:$0x2000] =	vst v7  }
0x5f: {  	v8 =	vld [tilespmem:s14+$0x1000];
	_ =	sdelay $0x4  }
0x60: {  	v8 =	vand.u32 $0x7FFFFFFF, v8  }
0x61: {  	vm0 =	vge.u32 v8, v6  }
0x62: {  	v8 =	vsel vm0, $0x1, v4  }
0x63: {  	v7 =	vadd.s32 v8, v7  }
0x64: {  	v8 =	vperm.xlane v7, v0;
	_ =	sdelay $0x1  }
0x65: {  	v8 =	vadd.s32 v7, v8  }
0x66: {  	v9 =	vperm.xlane v8, v1;
	_ =	sdelay $0x1  }
0x67: {  	v8 =	vadd.s32 v9, v8  }
0x68: {  	v9 =	vperm.xlane v8, v2;
	_ =	sdelay $0x1  }
0x69: {  	v8 =	vadd.s32 v9, v8  }
0x6a: {  	v9 =	vperm.xlane v8, v3;
	_ =	sdelay $0x1  }
0x6b: {  	v8 =	vadd.s32 v9, v8  }
0x6c: {  	vm15 =	vgt.s32 v8, $0x7FF  }
0x6d: {  	[tilespmem:$0x2000] =	vst v7;
	v7 =	vimm.s32 $0x0;
	v5 =	vsel vm15, v6, v5  }
0x6e: {  	s14 =	simm.s32 $0x0;
	s13 =	simm.s32 $0x40;
	[tilespmem:$0x2000] =	vst v7;
	v6 =	vor.u32 $0x10000000, v5  }
.LBB2_9:
0x6f: {  	p0 =	sne.s32 s13, $0x3FC0;
	v8 =	vld [tilespmem:s14+$0x1000];
	_ =	sdelay $0x4  }
.Ltmp3:
0x70: {  	v8 =	vand.u32 $0x7FFFFFFF, v8;
	(pc) =	sbr.rel @p0 .LBB2_9-.Ltmp3, $4  }
0x71: {  	vm0 =	vge.u32 v8, v6  }
0x72: {  	v8 =	vsel vm0, $0x1, v4  }
0x73: {  	v7 =	vadd.s32 v8, v7  }
0x74: {  	s14 =	sshra.s32 s13, $0x2;
	s13 =	sadd.s32 $0x40, s13;
	[tilespmem:$0x2000] =	vst v7  }
0x75: {  	v8 =	vld [tilespmem:s14+$0x1000];
	_ =	sdelay $0x4  }
0x76: {  	v8 =	vand.u32 $0x7FFFFFFF, v8  }
0x77: {  	vm0 =	vge.u32 v8, v6  }
0x78: {  	v8 =	vsel vm0, $0x1, v4  }
0x79: {  	v7 =	vadd.s32 v8, v7  }
0x7a: {  	v8 =	vperm.xlane v7, v0;
	_ =	sdelay $0x1  }
0x7b: {  	v8 =	vadd.s32 v7, v8  }
0x7c: {  	v9 =	vperm.xlane v8, v1;
	_ =	sdelay $0x1  }
0x7d: {  	v8 =	vadd.s32 v9, v8  }
0x7e: {  	v9 =	vperm.xlane v8, v2;
	_ =	sdelay $0x1  }
0x7f: {  	v8 =	vadd.s32 v9, v8  }
0x80: {  	v9 =	vperm.xlane v8, v3;
	_ =	sdelay $0x1  }
0x81: {  	v8 =	vadd.s32 v9, v8  }
0x82: {  	vm15 =	vgt.s32 v8, $0x7FF  }
0x83: {  	[tilespmem:$0x2000] =	vst v7;
	v7 =	vimm.s32 $0x0;
	v5 =	vsel vm15, v6, v5  }
0x84: {  	s14 =	simm.s32 $0x0;
	s13 =	simm.s32 $0x40;
	[tilespmem:$0x2000] =	vst v7;
	v6 =	vor.u32 $0x8000000, v5  }
.LBB2_11:
0x85: {  	p0 =	sne.s32 s13, $0x3FC0;
	v8 =	vld [tilespmem:s14+$0x1000];
	_ =	sdelay $0x4  }
.Ltmp4:
0x86: {  	v8 =	vand.u32 $0x7FFFFFFF, v8;
	(pc) =	sbr.rel @p0 .LBB2_11-.Ltmp4, $4  }
0x87: {  	vm0 =	vge.u32 v8, v6  }
0x88: {  	v8 =	vsel vm0, $0x1, v4  }
0x89: {  	v7 =	vadd.s32 v8, v7  }
0x8a: {  	s14 =	sshra.s32 s13, $0x2;
	s13 =	sadd.s32 $0x40, s13;
	[tilespmem:$0x2000] =	vst v7  }
0x8b: {  	v8 =	vld [tilespmem:s14+$0x1000];
	_ =	sdelay $0x4  }
0x8c: {  	v8 =	vand.u32 $0x7FFFFFFF, v8  }
0x8d: {  	vm0 =	vge.u32 v8, v6  }
0x8e: {  	v8 =	vsel vm0, $0x1, v4  }
0x8f: {  	v7 =	vadd.s32 v8, v7  }
0x90: {  	v8 =	vperm.xlane v7, v0;
	_ =	sdelay $0x1  }
0x91: {  	v8 =	vadd.s32 v7, v8  }
0x92: {  	v9 =	vperm.xlane v8, v1;
	_ =	sdelay $0x1  }
0x93: {  	v8 =	vadd.s32 v9, v8  }
0x94: {  	v9 =	vperm.xlane v8, v2;
	_ =	sdelay $0x1  }
0x95: {  	v8 =	vadd.s32 v9, v8  }
0x96: {  	v9 =	vperm.xlane v8, v3;
	_ =	sdelay $0x1  }
0x97: {  	v8 =	vadd.s32 v9, v8  }
0x98: {  	vm15 =	vgt.s32 v8, $0x7FF  }
0x99: {  	[tilespmem:$0x2000] =	vst v7;
	v7 =	vimm.s32 $0x0;
	v5 =	vsel vm15, v6, v5  }
0x9a: {  	s14 =	simm.s32 $0x0;
	s13 =	simm.s32 $0x40;
	[tilespmem:$0x2000] =	vst v7;
	v6 =	vor.u32 $0x4000000, v5  }
.LBB2_13:
0x9b: {  	p0 =	sne.s32 s13, $0x3FC0;
	v8 =	vld [tilespmem:s14+$0x1000];
	_ =	sdelay $0x4  }
.Ltmp5:
0x9c: {  	v8 =	vand.u32 $0x7FFFFFFF, v8;
	(pc) =	sbr.rel @p0 .LBB2_13-.Ltmp5, $4  }
0x9d: {  	vm0 =	vge.u32 v8, v6  }
0x9e: {  	v8 =	vsel vm0, $0x1, v4  }
0x9f: {  	v7 =	vadd.s32 v8, v7  }
0xa0: {  	s14 =	sshra.s32 s13, $0x2;
	s13 =	sadd.s32 $0x40, s13;
	[tilespmem:$0x2000] =	vst v7  }
0xa1: {  	v8 =	vld [tilespmem:s14+$0x1000];
	_ =	sdelay $0x4  }
0xa2: {  	v8 =	vand.u32 $0x7FFFFFFF, v8  }
0xa3: {  	vm0 =	vge.u32 v8, v6  }
0xa4: {  	v8 =	vsel vm0, $0x1, v4  }
0xa5: {  	v7 =	vadd.s32 v8, v7  }
0xa6: {  	v8 =	vperm.xlane v7, v0;
	_ =	sdelay $0x1  }
0xa7: {  	v8 =	vadd.s32 v7, v8  }
0xa8: {  	v9 =	vperm.xlane v8, v1;
	_ =	sdelay $0x1  }
0xa9: {  	v8 =	vadd.s32 v9, v8  }
0xaa: {  	v9 =	vperm.xlane v8, v2;
	_ =	sdelay $0x1  }
0xab: {  	v8 =	vadd.s32 v9, v8  }
0xac: {  	v9 =	vperm.xlane v8, v3;
	_ =	sdelay $0x1  }
0xad: {  	v8 =	vadd.s32 v9, v8  }
0xae: {  	vm15 =	vgt.s32 v8, $0x7FF  }
0xaf: {  	[tilespmem:$0x2000] =	vst v7;
	v7 =	vimm.s32 $0x0;
	v5 =	vsel vm15, v6, v5  }
0xb0: {  	s14 =	simm.s32 $0x0;
	s13 =	simm.s32 $0x40;
	[tilespmem:$0x2000] =	vst v7;
	v6 =	vor.u32 $0x2000000, v5  }
.LBB2_15:
0xb1: {  	p0 =	sne.s32 s13, $0x3FC0;
	v8 =	vld [tilespmem:s14+$0x1000];
	_ =	sdelay $0x4  }
.Ltmp6:
0xb2: {  	v8 =	vand.u32 $0x7FFFFFFF, v8;
	(pc) =	sbr.rel @p0 .LBB2_15-.Ltmp6, $4  }
0xb3: {  	vm0 =	vge.u32 v8, v6  }
0xb4: {  	v8 =	vsel vm0, $0x1, v4  }
0xb5: {  	v7 =	vadd.s32 v8, v7  }
0xb6: {  	s14 =	sshra.s32 s13, $0x2;
	s13 =	sadd.s32 $0x40, s13;
	[tilespmem:$0x2000] =	vst v7  }
0xb7: {  	v8 =	vld [tilespmem:s14+$0x1000];
	_ =	sdelay $0x4  }
0xb8: {  	v8 =	vand.u32 $0x7FFFFFFF, v8  }
0xb9: {  	vm0 =	vge.u32 v8, v6  }
0xba: {  	v8 =	vsel vm0, $0x1, v4  }
0xbb: {  	v7 =	vadd.s32 v8, v7  }
0xbc: {  	v8 =	vperm.xlane v7, v0;
	_ =	sdelay $0x1  }
0xbd: {  	v8 =	vadd.s32 v7, v8  }
0xbe: {  	v9 =	vperm.xlane v8, v1;
	_ =	sdelay $0x1  }
0xbf: {  	v8 =	vadd.s32 v9, v8  }
0xc0: {  	v9 =	vperm.xlane v8, v2;
	_ =	sdelay $0x1  }
0xc1: {  	v8 =	vadd.s32 v9, v8  }
0xc2: {  	v9 =	vperm.xlane v8, v3;
	_ =	sdelay $0x1  }
0xc3: {  	v8 =	vadd.s32 v9, v8  }
0xc4: {  	vm15 =	vgt.s32 v8, $0x7FF  }
0xc5: {  	[tilespmem:$0x2000] =	vst v7;
	v7 =	vimm.s32 $0x0;
	v5 =	vsel vm15, v6, v5  }
0xc6: {  	s14 =	simm.s32 $0x0;
	s13 =	simm.s32 $0x40;
	[tilespmem:$0x2000] =	vst v7;
	v6 =	vor.u32 $0x1000000, v5  }
.LBB2_17:
0xc7: {  	p0 =	sne.s32 s13, $0x3FC0;
	v8 =	vld [tilespmem:s14+$0x1000];
	_ =	sdelay $0x4  }
.Ltmp7:
0xc8: {  	v8 =	vand.u32 $0x7FFFFFFF, v8;
	(pc) =	sbr.rel @p0 .LBB2_17-.Ltmp7, $4  }
0xc9: {  	vm0 =	vge.u32 v8, v6  }
0xca: {  	v8 =	vsel vm0, $0x1, v4  }
0xcb: {  	v7 =	vadd.s32 v8, v7  }
0xcc: {  	s14 =	sshra.s32 s13, $0x2;
	s13 =	sadd.s32 $0x40, s13;
	[tilespmem:$0x2000] =	vst v7  }
0xcd: {  	v8 =	vld [tilespmem:s14+$0x1000];
	_ =	sdelay $0x4  }
0xce: {  	v8 =	vand.u32 $0x7FFFFFFF, v8  }
0xcf: {  	vm0 =	vge.u32 v8, v6  }
0xd0: {  	v8 =	vsel vm0, $0x1, v4  }
0xd1: {  	v7 =	vadd.s32 v8, v7  }
0xd2: {  	v8 =	vperm.xlane v7, v0;
	_ =	sdelay $0x1  }
0xd3: {  	v8 =	vadd.s32 v7, v8  }
0xd4: {  	v9 =	vperm.xlane v8, v1;
	_ =	sdelay $0x1  }
0xd5: {  	v8 =	vadd.s32 v9, v8  }
0xd6: {  	v9 =	vperm.xlane v8, v2;
	_ =	sdelay $0x1  }
0xd7: {  	v8 =	vadd.s32 v9, v8  }
0xd8: {  	v9 =	vperm.xlane v8, v3;
	_ =	sdelay $0x1  }
0xd9: {  	v8 =	vadd.s32 v9, v8  }
0xda: {  	vm15 =	vgt.s32 v8, $0x7FF  }
0xdb: {  	[tilespmem:$0x2000] =	vst v7;
	v7 =	vimm.s32 $0x0;
	v5 =	vsel vm15, v6, v5  }
0xdc: {  	s14 =	simm.s32 $0x0;
	s13 =	simm.s32 $0x40;
	[tilespmem:$0x2000] =	vst v7;
	v6 =	vor.u32 $0x800000, v5  }
.LBB2_19:
0xdd: {  	p0 =	sne.s32 s13, $0x3FC0;
	v8 =	vld [tilespmem:s14+$0x1000];
	_ =	sdelay $0x4  }
.Ltmp8:
0xde: {  	v8 =	vand.u32 $0x7FFFFFFF, v8;
	(pc) =	sbr.rel @p0 .LBB2_19-.Ltmp8, $4  }
0xdf: {  	vm0 =	vge.u32 v8, v6  }
0xe0: {  	v8 =	vsel vm0, $0x1, v4  }
0xe1: {  	v7 =	vadd.s32 v8, v7  }
0xe2: {  	s14 =	sshra.s32 s13, $0x2;
	s13 =	sadd.s32 $0x40, s13;
	[tilespmem:$0x2000] =	vst v7  }
0xe3: {  	v8 =	vld [tilespmem:s14+$0x1000];
	_ =	sdelay $0x4  }
0xe4: {  	v8 =	vand.u32 $0x7FFFFFFF, v8  }
0xe5: {  	vm0 =	vge.u32 v8, v6  }
0xe6: {  	v8 =	vsel vm0, $0x1, v4  }
0xe7: {  	v7 =	vadd.s32 v8, v7  }
0xe8: {  	v8 =	vperm.xlane v7, v0;
	_ =	sdelay $0x1  }
0xe9: {  	v8 =	vadd.s32 v7, v8  }
0xea: {  	v9 =	vperm.xlane v8, v1;
	_ =	sdelay $0x1  }
0xeb: {  	v8 =	vadd.s32 v9, v8  }
0xec: {  	v9 =	vperm.xlane v8, v2;
	_ =	sdelay $0x1  }
0xed: {  	v8 =	vadd.s32 v9, v8  }
0xee: {  	v9 =	vperm.xlane v8, v3;
	_ =	sdelay $0x1  }
0xef: {  	v8 =	vadd.s32 v9, v8  }
0xf0: {  	vm15 =	vgt.s32 v8, $0x7FF  }
0xf1: {  	[tilespmem:$0x2000] =	vst v7;
	v7 =	vimm.s32 $0x0;
	v5 =	vsel vm15, v6, v5  }
0xf2: {  	s14 =	simm.s32 $0x0;
	s13 =	simm.s32 $0x40;
	[tilespmem:$0x2000] =	vst v7;
	v6 =	vor.u32 $0x400000, v5  }
.LBB2_21:
0xf3: {  	p0 =	sne.s32 s13, $0x3FC0;
	v8 =	vld [tilespmem:s14+$0x1000];
	_ =	sdelay $0x4  }
.Ltmp9:
0xf4: {  	v8 =	vand.u32 $0x7FFFFFFF, v8;
	(pc) =	sbr.rel @p0 .LBB2_21-.Ltmp9, $4  }
0xf5: {  	vm0 =	vge.u32 v8, v6  }
0xf6: {  	v8 =	vsel vm0, $0x1, v4  }
0xf7: {  	v7 =	vadd.s32 v8, v7  }
0xf8: {  	s14 =	sshra.s32 s13, $0x2;
	s13 =	sadd.s32 $0x40, s13;
	[tilespmem:$0x2000] =	vst v7  }
0xf9: {  	v8 =	vld [tilespmem:s14+$0x1000];
	_ =	sdelay $0x4  }
0xfa: {  	v8 =	vand.u32 $0x7FFFFFFF, v8  }
0xfb: {  	vm0 =	vge.u32 v8, v6  }
0xfc: {  	v8 =	vsel vm0, $0x1, v4  }
0xfd: {  	v7 =	vadd.s32 v8, v7  }
0xfe: {  	v8 =	vperm.xlane v7, v0;
	_ =	sdelay $0x1  }
0xff: {  	v8 =	vadd.s32 v7, v8  }
0x100: {  	v9 =	vperm.xlane v8, v1;
	_ =	sdelay $0x1  }
0x101: {  	v8 =	vadd.s32 v9, v8  }
0x102: {  	v9 =	vperm.xlane v8, v2;
	_ =	sdelay $0x1  }
0x103: {  	v8 =	vadd.s32 v9, v8  }
0x104: {  	v9 =	vperm.xlane v8, v3;
	_ =	sdelay $0x1  }
0x105: {  	v8 =	vadd.s32 v9, v8  }
0x106: {  	vm15 =	vgt.s32 v8, $0x7FF  }
0x107: {  	[tilespmem:$0x2000] =	vst v7;
	v7 =	vimm.s32 $0x0;
	v5 =	vsel vm15, v6, v5  }
0x108: {  	s14 =	simm.s32 $0x0;
	s13 =	simm.s32 $0x40;
	[tilespmem:$0x2000] =	vst v7;
	v6 =	vor.u32 $0x200000, v5  }
.LBB2_23:
0x109: {  	p0 =	sne.s32 s13, $0x3FC0;
	v8 =	vld [tilespmem:s14+$0x1000];
	_ =	sdelay $0x4  }
.Ltmp10:
0x10a: {  	v8 =	vand.u32 $0x7FFFFFFF, v8;
	(pc) =	sbr.rel @p0 .LBB2_23-.Ltmp10, $4  }
0x10b: {  	vm0 =	vge.u32 v8, v6  }
0x10c: {  	v8 =	vsel vm0, $0x1, v4  }
0x10d: {  	v7 =	vadd.s32 v8, v7  }
0x10e: {  	s14 =	sshra.s32 s13, $0x2;
	s13 =	sadd.s32 $0x40, s13;
	[tilespmem:$0x2000] =	vst v7  }
0x10f: {  	v8 =	vld [tilespmem:s14+$0x1000];
	_ =	sdelay $0x4  }
0x110: {  	v8 =	vand.u32 $0x7FFFFFFF, v8  }
0x111: {  	vm0 =	vge.u32 v8, v6  }
0x112: {  	v8 =	vsel vm0, $0x1, v4  }
0x113: {  	v7 =	vadd.s32 v8, v7  }
0x114: {  	v8 =	vperm.xlane v7, v0;
	_ =	sdelay $0x1  }
0x115: {  	v8 =	vadd.s32 v7, v8  }
0x116: {  	v9 =	vperm.xlane v8, v1;
	_ =	sdelay $0x1  }
0x117: {  	v8 =	vadd.s32 v9, v8  }
0x118: {  	v9 =	vperm.xlane v8, v2;
	_ =	sdelay $0x1  }
0x119: {  	v8 =	vadd.s32 v9, v8  }
0x11a: {  	v9 =	vperm.xlane v8, v3;
	_ =	sdelay $0x1  }
0x11b: {  	v8 =	vadd.s32 v9, v8  }
0x11c: {  	vm15 =	vgt.s32 v8, $0x7FF  }
0x11d: {  	[tilespmem:$0x2000] =	vst v7;
	v7 =	vimm.s32 $0x0;
	v5 =	vsel vm15, v6, v5  }
0x11e: {  	s14 =	simm.s32 $0x0;
	s13 =	simm.s32 $0x40;
	[tilespmem:$0x2000] =	vst v7;
	v6 =	vor.u32 $0x100000, v5  }
.LBB2_25:
0x11f: {  	p0 =	sne.s32 s13, $0x3FC0;
	v8 =	vld [tilespmem:s14+$0x1000];
	_ =	sdelay $0x4  }
.Ltmp11:
0x120: {  	v8 =	vand.u32 $0x7FFFFFFF, v8;
	(pc) =	sbr.rel @p0 .LBB2_25-.Ltmp11, $4  }
0x121: {  	vm0 =	vge.u32 v8, v6  }
0x122: {  	v8 =	vsel vm0, $0x1, v4  }
0x123: {  	v7 =	vadd.s32 v8, v7  }
0x124: {  	s14 =	sshra.s32 s13, $0x2;
	s13 =	sadd.s32 $0x40, s13;
	[tilespmem:$0x2000] =	vst v7  }
0x125: {  	v8 =	vld [tilespmem:s14+$0x1000];
	_ =	sdelay $0x4  }
0x126: {  	v8 =	vand.u32 $0x7FFFFFFF, v8  }
0x127: {  	vm0 =	vge.u32 v8, v6  }
0x128: {  	v8 =	vsel vm0, $0x1, v4  }
0x129: {  	v7 =	vadd.s32 v8, v7  }
0x12a: {  	v8 =	vperm.xlane v7, v0;
	_ =	sdelay $0x1  }
0x12b: {  	v8 =	vadd.s32 v7, v8  }
0x12c: {  	v9 =	vperm.xlane v8, v1;
	_ =	sdelay $0x1  }
0x12d: {  	v8 =	vadd.s32 v9, v8  }
0x12e: {  	v9 =	vperm.xlane v8, v2;
	_ =	sdelay $0x1  }
0x12f: {  	v8 =	vadd.s32 v9, v8  }
0x130: {  	v9 =	vperm.xlane v8, v3;
	_ =	sdelay $0x1  }
0x131: {  	v8 =	vadd.s32 v9, v8  }
0x132: {  	vm15 =	vgt.s32 v8, $0x7FF  }
0x133: {  	[tilespmem:$0x2000] =	vst v7;
	v7 =	vimm.s32 $0x0;
	v5 =	vsel vm15, v6, v5  }
0x134: {  	s14 =	simm.s32 $0x0;
	s13 =	simm.s32 $0x40;
	[tilespmem:$0x2000] =	vst v7;
	v6 =	vor.u32 $0x80000, v5  }
.LBB2_27:
0x135: {  	p0 =	sne.s32 s13, $0x3FC0;
	v8 =	vld [tilespmem:s14+$0x1000];
	_ =	sdelay $0x4  }
.Ltmp12:
0x136: {  	v8 =	vand.u32 $0x7FFFFFFF, v8;
	(pc) =	sbr.rel @p0 .LBB2_27-.Ltmp12, $4  }
0x137: {  	vm0 =	vge.u32 v8, v6  }
0x138: {  	v8 =	vsel vm0, $0x1, v4  }
0x139: {  	v7 =	vadd.s32 v8, v7  }
0x13a: {  	s14 =	sshra.s32 s13, $0x2;
	s13 =	sadd.s32 $0x40, s13;
	[tilespmem:$0x2000] =	vst v7  }
0x13b: {  	v8 =	vld [tilespmem:s14+$0x1000];
	_ =	sdelay $0x4  }
0x13c: {  	v8 =	vand.u32 $0x7FFFFFFF, v8  }
0x13d: {  	vm0 =	vge.u32 v8, v6  }
0x13e: {  	v8 =	vsel vm0, $0x1, v4  }
0x13f: {  	v7 =	vadd.s32 v8, v7  }
0x140: {  	v8 =	vperm.xlane v7, v0;
	_ =	sdelay $0x1  }
0x141: {  	v8 =	vadd.s32 v7, v8  }
0x142: {  	v9 =	vperm.xlane v8, v1;
	_ =	sdelay $0x1  }
0x143: {  	v8 =	vadd.s32 v9, v8  }
0x144: {  	v9 =	vperm.xlane v8, v2;
	_ =	sdelay $0x1  }
0x145: {  	v8 =	vadd.s32 v9, v8  }
0x146: {  	v9 =	vperm.xlane v8, v3;
	_ =	sdelay $0x1  }
0x147: {  	v8 =	vadd.s32 v9, v8  }
0x148: {  	vm15 =	vgt.s32 v8, $0x7FF  }
0x149: {  	[tilespmem:$0x2000] =	vst v7;
	v7 =	vimm.s32 $0x0;
	v5 =	vsel vm15, v6, v5  }
0x14a: {  	s14 =	simm.s32 $0x0;
	s13 =	simm.s32 $0x40;
	[tilespmem:$0x2000] =	vst v7;
	v6 =	vor.u32 $0x40000, v5  }
.LBB2_29:
0x14b: {  	p0 =	sne.s32 s13, $0x3FC0;
	v8 =	vld [tilespmem:s14+$0x1000];
	_ =	sdelay $0x4  }
.Ltmp13:
0x14c: {  	v8 =	vand.u32 $0x7FFFFFFF, v8;
	(pc) =	sbr.rel @p0 .LBB2_29-.Ltmp13, $4  }
0x14d: {  	vm0 =	vge.u32 v8, v6  }
0x14e: {  	v8 =	vsel vm0, $0x1, v4  }
0x14f: {  	v7 =	vadd.s32 v8, v7  }
0x150: {  	s14 =	sshra.s32 s13, $0x2;
	s13 =	sadd.s32 $0x40, s13;
	[tilespmem:$0x2000] =	vst v7  }
0x151: {  	v8 =	vld [tilespmem:s14+$0x1000];
	_ =	sdelay $0x4  }
0x152: {  	v8 =	vand.u32 $0x7FFFFFFF, v8  }
0x153: {  	vm0 =	vge.u32 v8, v6  }
0x154: {  	v8 =	vsel vm0, $0x1, v4  }
0x155: {  	v7 =	vadd.s32 v8, v7  }
0x156: {  	v8 =	vperm.xlane v7, v0;
	_ =	sdelay $0x1  }
0x157: {  	v8 =	vadd.s32 v7, v8  }
0x158: {  	v9 =	vperm.xlane v8, v1;
	_ =	sdelay $0x1  }
0x159: {  	v8 =	vadd.s32 v9, v8  }
0x15a: {  	v9 =	vperm.xlane v8, v2;
	_ =	sdelay $0x1  }
0x15b: {  	v8 =	vadd.s32 v9, v8  }
0x15c: {  	v9 =	vperm.xlane v8, v3;
	_ =	sdelay $0x1  }
0x15d: {  	v8 =	vadd.s32 v9, v8  }
0x15e: {  	vm15 =	vgt.s32 v8, $0x7FF  }
0x15f: {  	[tilespmem:$0x2000] =	vst v7;
	v7 =	vimm.s32 $0x0;
	v5 =	vsel vm15, v6, v5  }
0x160: {  	s14 =	simm.s32 $0x0;
	s13 =	simm.s32 $0x40;
	[tilespmem:$0x2000] =	vst v7;
	v6 =	vor.u32 $0x20000, v5  }
.LBB2_31:
0x161: {  	p0 =	sne.s32 s13, $0x3FC0;
	v8 =	vld [tilespmem:s14+$0x1000];
	_ =	sdelay $0x4  }
.Ltmp14:
0x162: {  	v8 =	vand.u32 $0x7FFFFFFF, v8;
	(pc) =	sbr.rel @p0 .LBB2_31-.Ltmp14, $4  }
0x163: {  	vm0 =	vge.u32 v8, v6  }
0x164: {  	v8 =	vsel vm0, $0x1, v4  }
0x165: {  	v7 =	vadd.s32 v8, v7  }
0x166: {  	s14 =	sshra.s32 s13, $0x2;
	s13 =	sadd.s32 $0x40, s13;
	[tilespmem:$0x2000] =	vst v7  }
0x167: {  	v8 =	vld [tilespmem:s14+$0x1000];
	_ =	sdelay $0x4  }
0x168: {  	v8 =	vand.u32 $0x7FFFFFFF, v8  }
0x169: {  	vm0 =	vge.u32 v8, v6  }
0x16a: {  	v8 =	vsel vm0, $0x1, v4  }
0x16b: {  	v7 =	vadd.s32 v8, v7  }
0x16c: {  	v8 =	vperm.xlane v7, v0;
	_ =	sdelay $0x1  }
0x16d: {  	v8 =	vadd.s32 v7, v8  }
0x16e: {  	v9 =	vperm.xlane v8, v1;
	_ =	sdelay $0x1  }
0x16f: {  	v8 =	vadd.s32 v9, v8  }
0x170: {  	v9 =	vperm.xlane v8, v2;
	_ =	sdelay $0x1  }
0x171: {  	v8 =	vadd.s32 v9, v8  }
0x172: {  	v9 =	vperm.xlane v8, v3;
	_ =	sdelay $0x1  }
0x173: {  	v8 =	vadd.s32 v9, v8  }
0x174: {  	vm15 =	vgt.s32 v8, $0x7FF  }
0x175: {  	[tilespmem:$0x2000] =	vst v7;
	v7 =	vimm.s32 $0x0;
	v5 =	vsel vm15, v6, v5  }
0x176: {  	s14 =	simm.s32 $0x0;
	s13 =	simm.s32 $0x40;
	[tilespmem:$0x2000] =	vst v7;
	v6 =	vor.u32 $0x10000, v5  }
.LBB2_33:
0x177: {  	p0 =	sne.s32 s13, $0x3FC0;
	v8 =	vld [tilespmem:s14+$0x1000];
	_ =	sdelay $0x4  }
.Ltmp15:
0x178: {  	v8 =	vand.u32 $0x7FFFFFFF, v8;
	(pc) =	sbr.rel @p0 .LBB2_33-.Ltmp15, $4  }
0x179: {  	vm0 =	vge.u32 v8, v6  }
0x17a: {  	v8 =	vsel vm0, $0x1, v4  }
0x17b: {  	v7 =	vadd.s32 v8, v7  }
0x17c: {  	s14 =	sshra.s32 s13, $0x2;
	s13 =	sadd.s32 $0x40, s13;
	[tilespmem:$0x2000] =	vst v7  }
0x17d: {  	v8 =	vld [tilespmem:s14+$0x1000];
	_ =	sdelay $0x4  }
0x17e: {  	v8 =	vand.u32 $0x7FFFFFFF, v8  }
0x17f: {  	vm0 =	vge.u32 v8, v6  }
0x180: {  	v8 =	vsel vm0, $0x1, v4  }
0x181: {  	v7 =	vadd.s32 v8, v7  }
0x182: {  	v8 =	vperm.xlane v7, v0;
	_ =	sdelay $0x1  }
0x183: {  	v8 =	vadd.s32 v7, v8  }
0x184: {  	v9 =	vperm.xlane v8, v1;
	_ =	sdelay $0x1  }
0x185: {  	v8 =	vadd.s32 v9, v8  }
0x186: {  	v9 =	vperm.xlane v8, v2;
	_ =	sdelay $0x1  }
0x187: {  	v8 =	vadd.s32 v9, v8  }
0x188: {  	v9 =	vperm.xlane v8, v3;
	_ =	sdelay $0x1  }
0x189: {  	v8 =	vadd.s32 v9, v8  }
0x18a: {  	vm15 =	vgt.s32 v8, $0x7FF  }
0x18b: {  	[tilespmem:$0x2000] =	vst v7;
	v7 =	vimm.s32 $0x0;
	v5 =	vsel vm15, v6, v5  }
0x18c: {  	s14 =	simm.s32 $0x0;
	s13 =	simm.s32 $0x40;
	[tilespmem:$0x2000] =	vst v7;
	v6 =	vor.u32 $0x8000, v5  }
.LBB2_35:
0x18d: {  	p0 =	sne.s32 s13, $0x3FC0;
	v8 =	vld [tilespmem:s14+$0x1000];
	_ =	sdelay $0x4  }
.Ltmp16:
0x18e: {  	v8 =	vand.u32 $0x7FFFFFFF, v8;
	(pc) =	sbr.rel @p0 .LBB2_35-.Ltmp16, $4  }
0x18f: {  	vm0 =	vge.u32 v8, v6  }
0x190: {  	v8 =	vsel vm0, $0x1, v4  }
0x191: {  	v7 =	vadd.s32 v8, v7  }
0x192: {  	s14 =	sshra.s32 s13, $0x2;
	s13 =	sadd.s32 $0x40, s13;
	[tilespmem:$0x2000] =	vst v7  }
0x193: {  	v8 =	vld [tilespmem:s14+$0x1000];
	_ =	sdelay $0x4  }
0x194: {  	v8 =	vand.u32 $0x7FFFFFFF, v8  }
0x195: {  	vm0 =	vge.u32 v8, v6  }
0x196: {  	v8 =	vsel vm0, $0x1, v4  }
0x197: {  	v7 =	vadd.s32 v8, v7  }
0x198: {  	v8 =	vperm.xlane v7, v0;
	_ =	sdelay $0x1  }
0x199: {  	v8 =	vadd.s32 v7, v8  }
0x19a: {  	v9 =	vperm.xlane v8, v1;
	_ =	sdelay $0x1  }
0x19b: {  	v8 =	vadd.s32 v9, v8  }
0x19c: {  	v9 =	vperm.xlane v8, v2;
	_ =	sdelay $0x1  }
0x19d: {  	v8 =	vadd.s32 v9, v8  }
0x19e: {  	v9 =	vperm.xlane v8, v3;
	_ =	sdelay $0x1  }
0x19f: {  	v8 =	vadd.s32 v9, v8  }
0x1a0: {  	vm15 =	vgt.s32 v8, $0x7FF  }
0x1a1: {  	[tilespmem:$0x2000] =	vst v7;
	v7 =	vimm.s32 $0x0;
	v5 =	vsel vm15, v6, v5  }
0x1a2: {  	s14 =	simm.s32 $0x0;
	s13 =	simm.s32 $0x40;
	[tilespmem:$0x2000] =	vst v7;
	v6 =	vor.u32 $0x4000, v5  }
.LBB2_37:
0x1a3: {  	p0 =	sne.s32 s13, $0x3FC0;
	v8 =	vld [tilespmem:s14+$0x1000];
	_ =	sdelay $0x4  }
.Ltmp17:
0x1a4: {  	v8 =	vand.u32 $0x7FFFFFFF, v8;
	(pc) =	sbr.rel @p0 .LBB2_37-.Ltmp17, $4  }
0x1a5: {  	vm0 =	vge.u32 v8, v6  }
0x1a6: {  	v8 =	vsel vm0, $0x1, v4  }
0x1a7: {  	v7 =	vadd.s32 v8, v7  }
0x1a8: {  	s14 =	sshra.s32 s13, $0x2;
	s13 =	sadd.s32 $0x40, s13;
	[tilespmem:$0x2000] =	vst v7  }
0x1a9: {  	v8 =	vld [tilespmem:s14+$0x1000];
	_ =	sdelay $0x4  }
0x1aa: {  	v8 =	vand.u32 $0x7FFFFFFF, v8  }
0x1ab: {  	vm0 =	vge.u32 v8, v6  }
0x1ac: {  	v8 =	vsel vm0, $0x1, v4  }
0x1ad: {  	v7 =	vadd.s32 v8, v7  }
0x1ae: {  	v8 =	vperm.xlane v7, v0;
	_ =	sdelay $0x1  }
0x1af: {  	v8 =	vadd.s32 v7, v8  }
0x1b0: {  	v9 =	vperm.xlane v8, v1;
	_ =	sdelay $0x1  }
0x1b1: {  	v8 =	vadd.s32 v9, v8  }
0x1b2: {  	v9 =	vperm.xlane v8, v2;
	_ =	sdelay $0x1  }
0x1b3: {  	v8 =	vadd.s32 v9, v8  }
0x1b4: {  	v9 =	vperm.xlane v8, v3;
	_ =	sdelay $0x1  }
0x1b5: {  	v8 =	vadd.s32 v9, v8  }
0x1b6: {  	vm15 =	vgt.s32 v8, $0x7FF  }
0x1b7: {  	[tilespmem:$0x2000] =	vst v7;
	v7 =	vimm.s32 $0x0;
	v5 =	vsel vm15, v6, v5  }
0x1b8: {  	s14 =	simm.s32 $0x0;
	s13 =	simm.s32 $0x40;
	[tilespmem:$0x2000] =	vst v7;
	v6 =	vor.u32 $0x2000, v5  }
.LBB2_39:
0x1b9: {  	p0 =	sne.s32 s13, $0x3FC0;
	v8 =	vld [tilespmem:s14+$0x1000];
	_ =	sdelay $0x4  }
.Ltmp18:
0x1ba: {  	v8 =	vand.u32 $0x7FFFFFFF, v8;
	(pc) =	sbr.rel @p0 .LBB2_39-.Ltmp18, $4  }
0x1bb: {  	vm0 =	vge.u32 v8, v6  }
0x1bc: {  	v8 =	vsel vm0, $0x1, v4  }
0x1bd: {  	v7 =	vadd.s32 v8, v7  }
0x1be: {  	s14 =	sshra.s32 s13, $0x2;
	s13 =	sadd.s32 $0x40, s13;
	[tilespmem:$0x2000] =	vst v7  }
0x1bf: {  	v8 =	vld [tilespmem:s14+$0x1000];
	_ =	sdelay $0x4  }
0x1c0: {  	v8 =	vand.u32 $0x7FFFFFFF, v8  }
0x1c1: {  	vm0 =	vge.u32 v8, v6  }
0x1c2: {  	v8 =	vsel vm0, $0x1, v4  }
0x1c3: {  	v7 =	vadd.s32 v8, v7  }
0x1c4: {  	v8 =	vperm.xlane v7, v0;
	_ =	sdelay $0x1  }
0x1c5: {  	v8 =	vadd.s32 v7, v8  }
0x1c6: {  	v9 =	vperm.xlane v8, v1;
	_ =	sdelay $0x1  }
0x1c7: {  	v8 =	vadd.s32 v9, v8  }
0x1c8: {  	v9 =	vperm.xlane v8, v2;
	_ =	sdelay $0x1  }
0x1c9: {  	v8 =	vadd.s32 v9, v8  }
0x1ca: {  	v9 =	vperm.xlane v8, v3;
	_ =	sdelay $0x1  }
0x1cb: {  	v8 =	vadd.s32 v9, v8  }
0x1cc: {  	vm15 =	vgt.s32 v8, $0x7FF  }
0x1cd: {  	[tilespmem:$0x2000] =	vst v7;
	v7 =	vimm.s32 $0x0;
	v5 =	vsel vm15, v6, v5  }
0x1ce: {  	s14 =	simm.s32 $0x0;
	s13 =	simm.s32 $0x40;
	[tilespmem:$0x2000] =	vst v7;
	v6 =	vor.u32 $0x1000, v5  }
.LBB2_41:
0x1cf: {  	p0 =	sne.s32 s13, $0x3FC0;
	v8 =	vld [tilespmem:s14+$0x1000];
	_ =	sdelay $0x4  }
.Ltmp19:
0x1d0: {  	v8 =	vand.u32 $0x7FFFFFFF, v8;
	(pc) =	sbr.rel @p0 .LBB2_41-.Ltmp19, $4  }
0x1d1: {  	vm0 =	vge.u32 v8, v6  }
0x1d2: {  	v8 =	vsel vm0, $0x1, v4  }
0x1d3: {  	v7 =	vadd.s32 v8, v7  }
0x1d4: {  	s14 =	sshra.s32 s13, $0x2;
	s13 =	sadd.s32 $0x40, s13;
	[tilespmem:$0x2000] =	vst v7  }
0x1d5: {  	v8 =	vld [tilespmem:s14+$0x1000];
	_ =	sdelay $0x4  }
0x1d6: {  	v8 =	vand.u32 $0x7FFFFFFF, v8  }
0x1d7: {  	vm0 =	vge.u32 v8, v6  }
0x1d8: {  	v8 =	vsel vm0, $0x1, v4  }
0x1d9: {  	v7 =	vadd.s32 v8, v7  }
0x1da: {  	v8 =	vperm.xlane v7, v0;
	_ =	sdelay $0x1  }
0x1db: {  	v8 =	vadd.s32 v7, v8  }
0x1dc: {  	v9 =	vperm.xlane v8, v1;
	_ =	sdelay $0x1  }
0x1dd: {  	v8 =	vadd.s32 v9, v8  }
0x1de: {  	v9 =	vperm.xlane v8, v2;
	_ =	sdelay $0x1  }
0x1df: {  	v8 =	vadd.s32 v9, v8  }
0x1e0: {  	v9 =	vperm.xlane v8, v3;
	_ =	sdelay $0x1  }
0x1e1: {  	v8 =	vadd.s32 v9, v8  }
0x1e2: {  	vm15 =	vgt.s32 v8, $0x7FF  }
0x1e3: {  	[tilespmem:$0x2000] =	vst v7;
	v7 =	vimm.s32 $0x0;
	v5 =	vsel vm15, v6, v5  }
0x1e4: {  	s14 =	simm.s32 $0x0;
	s13 =	simm.s32 $0x40;
	[tilespmem:$0x2000] =	vst v7;
	v6 =	vor.u32 $0x800, v5  }
.LBB2_43:
0x1e5: {  	p0 =	sne.s32 s13, $0x3FC0;
	v8 =	vld [tilespmem:s14+$0x1000];
	_ =	sdelay $0x4  }
.Ltmp20:
0x1e6: {  	v8 =	vand.u32 $0x7FFFFFFF, v8;
	(pc) =	sbr.rel @p0 .LBB2_43-.Ltmp20, $4  }
0x1e7: {  	vm0 =	vge.u32 v8, v6  }
0x1e8: {  	v8 =	vsel vm0, $0x1, v4  }
0x1e9: {  	v7 =	vadd.s32 v8, v7  }
0x1ea: {  	s14 =	sshra.s32 s13, $0x2;
	s13 =	sadd.s32 $0x40, s13;
	[tilespmem:$0x2000] =	vst v7  }
0x1eb: {  	v8 =	vld [tilespmem:s14+$0x1000];
	_ =	sdelay $0x4  }
0x1ec: {  	v8 =	vand.u32 $0x7FFFFFFF, v8  }
0x1ed: {  	vm0 =	vge.u32 v8, v6  }
0x1ee: {  	v8 =	vsel vm0, $0x1, v4  }
0x1ef: {  	v7 =	vadd.s32 v8, v7  }
0x1f0: {  	v8 =	vperm.xlane v7, v0;
	_ =	sdelay $0x1  }
0x1f1: {  	v8 =	vadd.s32 v7, v8  }
0x1f2: {  	v9 =	vperm.xlane v8, v1;
	_ =	sdelay $0x1  }
0x1f3: {  	v8 =	vadd.s32 v9, v8  }
0x1f4: {  	v9 =	vperm.xlane v8, v2;
	_ =	sdelay $0x1  }
0x1f5: {  	v8 =	vadd.s32 v9, v8  }
0x1f6: {  	v9 =	vperm.xlane v8, v3;
	_ =	sdelay $0x1  }
0x1f7: {  	v8 =	vadd.s32 v9, v8  }
0x1f8: {  	vm15 =	vgt.s32 v8, $0x7FF  }
0x1f9: {  	[tilespmem:$0x2000] =	vst v7;
	v7 =	vimm.s32 $0x0;
	v5 =	vsel vm15, v6, v5  }
0x1fa: {  	s14 =	simm.s32 $0x0;
	s13 =	simm.s32 $0x40;
	[tilespmem:$0x2000] =	vst v7;
	v6 =	vor.u32 $0x400, v5  }
.LBB2_45:
0x1fb: {  	p0 =	sne.s32 s13, $0x3FC0;
	v8 =	vld [tilespmem:s14+$0x1000];
	_ =	sdelay $0x4  }
.Ltmp21:
0x1fc: {  	v8 =	vand.u32 $0x7FFFFFFF, v8;
	(pc) =	sbr.rel @p0 .LBB2_45-.Ltmp21, $4  }
0x1fd: {  	vm0 =	vge.u32 v8, v6  }
0x1fe: {  	v8 =	vsel vm0, $0x1, v4  }
0x1ff: {  	v7 =	vadd.s32 v8, v7  }
0x200: {  	s14 =	sshra.s32 s13, $0x2;
	s13 =	sadd.s32 $0x40, s13;
	[tilespmem:$0x2000] =	vst v7  }
0x201: {  	v8 =	vld [tilespmem:s14+$0x1000];
	_ =	sdelay $0x4  }
0x202: {  	v8 =	vand.u32 $0x7FFFFFFF, v8  }
0x203: {  	vm0 =	vge.u32 v8, v6  }
0x204: {  	v8 =	vsel vm0, $0x1, v4  }
0x205: {  	v7 =	vadd.s32 v8, v7  }
0x206: {  	v8 =	vperm.xlane v7, v0;
	_ =	sdelay $0x1  }
0x207: {  	v8 =	vadd.s32 v7, v8  }
0x208: {  	v9 =	vperm.xlane v8, v1;
	_ =	sdelay $0x1  }
0x209: {  	v8 =	vadd.s32 v9, v8  }
0x20a: {  	v9 =	vperm.xlane v8, v2;
	_ =	sdelay $0x1  }
0x20b: {  	v8 =	vadd.s32 v9, v8  }
0x20c: {  	v9 =	vperm.xlane v8, v3;
	_ =	sdelay $0x1  }
0x20d: {  	v8 =	vadd.s32 v9, v8  }
0x20e: {  	vm15 =	vgt.s32 v8, $0x7FF  }
0x20f: {  	[tilespmem:$0x2000] =	vst v7;
	v7 =	vimm.s32 $0x0;
	v5 =	vsel vm15, v6, v5  }
0x210: {  	s14 =	simm.s32 $0x0;
	s13 =	simm.s32 $0x40;
	[tilespmem:$0x2000] =	vst v7;
	v6 =	vor.u32 $0x200, v5  }
.LBB2_47:
0x211: {  	p0 =	sne.s32 s13, $0x3FC0;
	v8 =	vld [tilespmem:s14+$0x1000];
	_ =	sdelay $0x4  }
.Ltmp22:
0x212: {  	v8 =	vand.u32 $0x7FFFFFFF, v8;
	(pc) =	sbr.rel @p0 .LBB2_47-.Ltmp22, $4  }
0x213: {  	vm0 =	vge.u32 v8, v6  }
0x214: {  	v8 =	vsel vm0, $0x1, v4  }
0x215: {  	v7 =	vadd.s32 v8, v7  }
0x216: {  	s14 =	sshra.s32 s13, $0x2;
	s13 =	sadd.s32 $0x40, s13;
	[tilespmem:$0x2000] =	vst v7  }
0x217: {  	v8 =	vld [tilespmem:s14+$0x1000];
	_ =	sdelay $0x4  }
0x218: {  	v8 =	vand.u32 $0x7FFFFFFF, v8  }
0x219: {  	vm0 =	vge.u32 v8, v6  }
0x21a: {  	v8 =	vsel vm0, $0x1, v4  }
0x21b: {  	v7 =	vadd.s32 v8, v7  }
0x21c: {  	v8 =	vperm.xlane v7, v0;
	_ =	sdelay $0x1  }
0x21d: {  	v8 =	vadd.s32 v7, v8  }
0x21e: {  	v9 =	vperm.xlane v8, v1;
	_ =	sdelay $0x1  }
0x21f: {  	v8 =	vadd.s32 v9, v8  }
0x220: {  	v9 =	vperm.xlane v8, v2;
	_ =	sdelay $0x1  }
0x221: {  	v8 =	vadd.s32 v9, v8  }
0x222: {  	v9 =	vperm.xlane v8, v3;
	_ =	sdelay $0x1  }
0x223: {  	v8 =	vadd.s32 v9, v8  }
0x224: {  	s13 =	simm.s32 $0x0;
	[tilespmem:$0x2000] =	vst v7;
	vm15 =	vgt.s32 v8, $0x7FF  }
0x225: {  	s14 =	simm.s32 $0x40;
	v5 =	vsel vm15, v6, v5;
	v6 =	vld [tilespmem:s13+$0x1000]  }
.LBB2_49:
0x226: {  	_ =	sdelay $0x1  }
0x227: {  	p0 =	sne.s32 s14, $0x3FC0  }
.Ltmp23:
0x228: {  	_ = 	snop;
	(pc) =	sbr.rel @p0 .LBB2_49-.Ltmp23, $4  }
0x229: {  	v7 =	vand.u32 $0x7FFFFFFF, v6  }
0x22a: {  	v8 =	vmov v6;
	vm0 =	vgt.s32 v5, v7  }
0x22b: {  	s15 =	sshra.s32 s14, $0x2;
	v7 =	vsel vm0, $0x0, v8  }
0x22c: {  	s14 =	sadd.s32 $0x40, s14;
	v6 =	vld [tilespmem:s15+$0x1000];
	[tilespmem:s13+$0x0] =	vst v7;
	s13 =	smov.u32 s15  }
0x22d: {  	_ =	sdelay $0x3  }
0x22e: {  	v7 =	vand.u32 $0x7FFFFFFF, v6  }
0x22f: {  	s11 =	sadd.s32 $0x1, s11;
	vm0 =	vgt.s32 v5, v7  }
0x230: {  	p0 =	sne.s32 s11, $0x100;
	v5 =	vsel vm0, $0x0, v6  }
.Ltmp24:
0x231: {  	s12 =	sadd.s32 s2, s12;
	[tilespmem:s13+$0x0] =	vst v5;
	(pc) =	sbr.rel @p0 .LBB2_2-.Ltmp24, $4  }
0x232: {  	[hbm4b:s12+s7] =	stream.strided.scatter [tilespmem:s3], [sflag:$0x1], $0x1000, s8, s7, $0x38;
	[tilespmem:$0x2080] =	vst v63  }
0x233: {  	_ =	swait.ge [sflag:s9], $0x1000  }
0x234: {  	[sflag:s9] =	ssyncset.done $0x0  }
0x235: {  	[sflag:s9] =	ssyncadd.s32 $0xFFFFF000  }
0x236: {  	s10 =	sadd.s32 $0x1, s10  }
0x237: {  	p0 =	sne.s32 s10, s6  }
.Ltmp25:
0x238: {  	_ = 	snop;
	(pc) =	sbr.rel @p0 .LBB2_1-.Ltmp25, $1  }
0x239: {  	_ =	sdelay $0x3  }
0x23a: {  	_ =	sfence.sel $0x180000  }
0x23b: {  	[bflag:$0x0] =	sbarrier.arrive $0xFFFF  }
0x23c: {  	p0 =	sne.s32 s4, $0x0;
	_ =	strace $0x90000047  }
0x23d: {  	s0 =	sadd.s32 @!p0 $0x100000, s1;
	[bflag:$0x2] =	sbarrier.arrive $0xFFFF  }
0x23e: {  	[sflag:s0] =	ssyncadd.tile.s32 @!p0 $0x1;
	_ =	shalt  }
.Lfunc_end2:
_tile_overlayer_lowered:
.L_overlay_start_2:
0x23f: {  	(tag) =	ssettag $0x2  }
0x240: {  	s0 =	rddreg [dreg:$0x0];
	s2 =	stileid.u32  }
0x241: {  	s1 =	rddreg [dreg:$0x1];
	p0 =	sne.s32 s2, $0x0  }
0x242: {  	s3 =	rddreg [dreg:$0x2];
	[bflag:$0x3] =	sbarrier.arrive $0xFFFF;
	s2 =	simm.s32 @!p0 $0x1C01  }
0x243: {  	[timem:s3], [sflag:s2] =	dma.local @!p0 [hbm:s0], s1  }
0x244: {  	s0 =	simm.s32 @!p0 $0x1  }
0x245: {  	_ =	swait.ge @!p0 [sflag:s0], s1  }
0x246: {  	s1 =	ssub.s32 @!p0 $0x0, s1;
	[sflag:s0] =	ssyncset.done @!p0 $0x0  }
0x247: {  	[sflag:s0] =	ssyncadd.s32 @!p0 s1  }
0x248: {  	[bflag:$0x3] =	sbarrier.arrive $0xFFFF  }
0x249: {  	_ =	shalt  }

</sc_bundles>
